<compile_context>
chip_gen: v7x
topology: tpu7x:2x2x1
jax: 0.10.2.dev20260603
libtpu: 0.0.44.dev20260713+nightly
codegen_flags: <defaults>
</compile_context>

<pallas_src>
import functools

import jax
import jax.numpy as jnp
from jax import lax
from jax.experimental import pallas as pl
from jax.experimental.pallas import tpu as pltpu
from jax.experimental.pallas import tpu_sc as plsc




def _build_adj(src, dst, np_):
    e = src.shape[0]
    info = plsc.get_sparse_core_info()
    nw = info.num_cores * info.num_subcores
    assert e % nw == 0
    ec = e // nw
    assert ec % 16 == 0
    groups = ec // 16
    rows = (2 * ec + 127) // 128
    pad = rows * 128 - 2 * ec
    nc = info.num_cores

    mesh = plsc.VectorSubcoreMesh(core_axis_name="c", subcore_axis_name="s")

    @functools.partial(
        pl.kernel,
        mesh=mesh,
        out_type=(),
        scratch_types=[
            pltpu.VMEM((ec,), jnp.int32),
            pltpu.VMEM((ec,), jnp.int32),
            pltpu.VMEM((rows * 128,), jnp.int32),
            pltpu.VMEM((rows * 128,), jnp.float32),
            pltpu.SemaphoreType.DMA,
        ],
    )
    def build(src_hbm, dst_hbm, ones_hbm, a_hbm, src_v, dst_v, idx_v, ones_v, sem):
        wid = lax.axis_index("s") * nc + lax.axis_index("c")
        base = wid * ec
        pltpu.sync_copy(src_hbm.at[pl.ds(base, ec)], src_v)
        pltpu.sync_copy(dst_hbm.at[pl.ds(base, ec)], dst_v)
        pltpu.sync_copy(ones_hbm, ones_v)

        def fill(k, carry):
            s = src_v[pl.ds(k * 16, 16)]
            d = dst_v[pl.ds(k * 16, 16)]
            idx_v[pl.ds(k * 32, 16)] = s * np_ + d
            idx_v[pl.ds(k * 32 + 16, 16)] = d * np_ + s
            return carry

        lax.fori_loop(0, groups, fill, 0)

        if pad:
            pv = idx_v[pl.ds(0, 16)]
            for g in range(pad // 16):
                idx_v[pl.ds(2 * ec + g * 16, 16)] = pv

        pltpu.async_copy(ones_v, a_hbm.at[idx_v], sem).wait()

    a_ref = jax.new_ref(jnp.zeros((np_ * np_,), jnp.float32))
    ones = jnp.ones((rows * 128,), jnp.float32)
    build(src, dst, ones, a_ref)
    return jax.freeze(a_ref)




_ADT = jnp.float8_e4m3fn


def _convert(a_f32, x_pad, w_embed, np_):
    ib = 256
    nf = x_pad.shape[1]
    nh = w_embed.shape[1]

    def body(a_ref, adiag_ref, x_ref, w_ref, ab_ref, d1_ref, r0_ref):
        a = a_ref[...]
        ab_ref[...] = a.astype(_ADT)
        sub = adiag_ref[...]
        rr = lax.broadcasted_iota(jnp.int32, (ib, ib), 0)
        cc = lax.broadcasted_iota(jnp.int32, (ib, ib), 1)
        diag = jnp.sum(jnp.where(rr == cc, sub, 0.0), axis=1, keepdims=True)
        d1_ref[...] = jnp.sum(a, axis=1, keepdims=True) - diag
        r0_ref[...] = jnp.maximum(
            jnp.dot(x_ref[...], w_ref[...], preferred_element_type=jnp.float32), 0.0
        )

    return pl.pallas_call(
        body,
        grid=(np_ // ib,),
        in_specs=[
            pl.BlockSpec((ib, np_), lambda i: (i, 0)),
            pl.BlockSpec((ib, ib), lambda i: (i, i)),
            pl.BlockSpec((ib, nf), lambda i: (i, 0)),
            pl.BlockSpec((nf, nh), lambda i: (0, 0)),
        ],
        out_specs=[
            pl.BlockSpec((ib, np_), lambda i: (i, 0)),
            pl.BlockSpec((ib, 1), lambda i: (i, 0)),
            pl.BlockSpec((ib, nh), lambda i: (i, 0)),
        ],
        out_shape=[
            jax.ShapeDtypeStruct((np_, np_), _ADT),
            jax.ShapeDtypeStruct((np_, 1), jnp.float32),
            jax.ShapeDtypeStruct((np_, nh), jnp.float32),
        ],
    )(a_f32, a_f32, x_pad, w_embed)


def _a2_pass(a_bf16, np_):
    ib = 512
    jb = 512
    nb = np_ // ib
    assert nb % 2 == 0

    def _fold(p, q):
        cond = (q >= p) & (q < nb)
        i = jnp.where(cond, p, nb - 1 - p)
        j = jnp.where(cond, q, jnp.where(q == nb, nb - 1 - p, nb - 1 - q))
        return i, j

    integer = jnp.issubdtype(_ADT, jnp.integer)
    acc_t = jnp.int32 if integer else jnp.float32

    def body(ai_ref, acol_ref, aij_ref, a2_ref):
        i, j = _fold(pl.program_id(0), pl.program_id(1))
        acc = jnp.dot(ai_ref[...], acol_ref[...], preferred_element_type=acc_t)
        aij = aij_ref[...].astype(acc_t)
        rr = lax.broadcasted_iota(jnp.int32, (ib, jb), 0) + i * ib
        cc = lax.broadcasted_iota(jnp.int32, (ib, jb), 1) + j * jb
        eye = jnp.where(rr == cc, 1, 0).astype(acc_t)
        thresh = 0 if integer else 0.5
        a2_ref[...] = (acc - aij - eye > thresh).astype(jnp.int8)

    a2u = pl.pallas_call(
        body,
        grid=(nb // 2, nb + 1),
        in_specs=[
            pl.BlockSpec((ib, np_), lambda p, q: (_fold(p, q)[0], 0)),
            pl.BlockSpec((np_, jb), lambda p, q: (0, _fold(p, q)[1])),
            pl.BlockSpec((ib, jb), lambda p, q: _fold(p, q)),
        ],
        out_specs=pl.BlockSpec((ib, jb), lambda p, q: _fold(p, q)),
        out_shape=jax.ShapeDtypeStruct((np_, np_), jnp.int8),
    )(a_bf16, a_bf16, a_bf16)

    def mirror_body(u_ref, full_ref, d2_ref):
        i = pl.program_id(0)
        j = pl.program_id(1)

        def acc(part):
            @pl.when(j == 0)
            def _():
                d2_ref[...] = part

            @pl.when(j > 0)
            def _():
                d2_ref[...] += part

        @pl.when(j >= i)
        def _():
            t = u_ref[...]
            full_ref[...] = t
            acc(jnp.sum(t.astype(jnp.float32), axis=1, keepdims=True))

        @pl.when(j < i)
        def _():
            tt = u_ref[...].astype(jnp.float32).T
            full_ref[...] = tt.astype(jnp.int8)
            acc(jnp.sum(tt, axis=1, keepdims=True))

    return pl.pallas_call(
        mirror_body,
        grid=(nb, nb),
        in_specs=[
            pl.BlockSpec(
                (ib, ib), lambda i, j: (jnp.minimum(i, j), jnp.maximum(i, j))
            ),
        ],
        out_specs=[
            pl.BlockSpec((ib, ib), lambda i, j: (i, j)),
            pl.BlockSpec((ib, 1), lambda i, j: (i, 0)),
        ],
        out_shape=[
            jax.ShapeDtypeStruct((np_, np_), jnp.int8),
            jax.ShapeDtypeStruct((np_, 1), jnp.float32),
        ],
    )(a2u)


def _rs(d):
    return jnp.where(d > 0.0, lax.rsqrt(jnp.maximum(d, 1e-30)), 0.0)


def _hop_parts(ap_ref, a2p_ref, adg_ref, rf_ref, rb_ref, d1f_ref, d2f_ref,
               d1b_ref, d2b_ref, ib):
    s1f = _rs(d1f_ref[...])
    s2f = _rs(d2f_ref[...])
    rf = rf_ref[...]
    u1 = (s1f * rf).astype(jnp.bfloat16)
    u2 = (s2f * rf).astype(jnp.bfloat16)
    y1 = jnp.dot(ap_ref[...].astype(jnp.bfloat16), u1,
                 preferred_element_type=jnp.float32)
    y2 = jnp.dot(a2p_ref[...].astype(jnp.bfloat16), u2,
                 preferred_element_type=jnp.float32)
    sub = adg_ref[...].astype(jnp.float32)
    rr = lax.broadcasted_iota(jnp.int32, (ib, ib), 0)
    cc = lax.broadcasted_iota(jnp.int32, (ib, ib), 1)
    diag = jnp.sum(jnp.where(rr == cc, sub, 0.0), axis=1, keepdims=True)
    s1b = _rs(d1b_ref[...])
    s2b = _rs(d2b_ref[...])
    u1b = (s1b * rb_ref[...]).astype(jnp.bfloat16).astype(jnp.float32)
    y1 = (y1 - diag * u1b) * s1b
    y2 = y2 * s2b
    return y1, y2


def _hop1(a_bf16, a2_i8, r0, d1, d2, np_):
    ib = 256
    nh = r0.shape[1]

    def body(ap, a2p, adg, rf, rb, d1f, d2f, d1b, d2b, out_ref):
        y1, y2 = _hop_parts(ap, a2p, adg, rf, rb, d1f, d2f, d1b, d2b, ib)
        out_ref[...] = jnp.concatenate([y1, y2], axis=1)

    return pl.pallas_call(
        body,
        grid=(np_ // ib,),
        in_specs=[
            pl.BlockSpec((ib, np_), lambda i: (i, 0)),
            pl.BlockSpec((ib, np_), lambda i: (i, 0)),
            pl.BlockSpec((ib, ib), lambda i: (i, i)),
            pl.BlockSpec((np_, nh), lambda i: (0, 0)),
            pl.BlockSpec((ib, nh), lambda i: (i, 0)),
            pl.BlockSpec((np_, 1), lambda i: (0, 0)),
            pl.BlockSpec((np_, 1), lambda i: (0, 0)),
            pl.BlockSpec((ib, 1), lambda i: (i, 0)),
            pl.BlockSpec((ib, 1), lambda i: (i, 0)),
        ],
        out_specs=pl.BlockSpec((ib, 2 * nh), lambda i: (i, 0)),
        out_shape=jax.ShapeDtypeStruct((np_, 2 * nh), jnp.float32),
    )(a_bf16, a2_i8, a_bf16, r0, r0, d1, d2, d1, d2)


def _hop2_classify(a_bf16, a2_i8, r1, r0, d1, d2, w_classify, np_):
    ib = 256
    nh = r0.shape[1]
    w1 = r1.shape[1]
    ncls = w_classify.shape[1]

    def body(ap, a2p, adg, rf, rb, r0b, d1f, d2f, d1b, d2b, w_ref, out_ref):
        y1, y2 = _hop_parts(ap, a2p, adg, rf, rb, d1f, d2f, d1b, d2b, ib)
        w = w_ref[...]
        logits = (
            jnp.dot(r0b[...], w[0:nh], preferred_element_type=jnp.float32)
            + jnp.dot(rb[...], w[nh:nh + w1], preferred_element_type=jnp.float32)
            + jnp.dot(y1, w[nh + w1:nh + 2 * w1], preferred_element_type=jnp.float32)
            + jnp.dot(y2, w[nh + 2 * w1:nh + 3 * w1], preferred_element_type=jnp.float32)
        )
        m = jnp.max(logits, axis=1, keepdims=True)
        lse = jnp.log(jnp.sum(jnp.exp(logits - m), axis=1, keepdims=True))
        out_ref[...] = logits - m - lse

    return pl.pallas_call(
        body,
        grid=(np_ // ib,),
        in_specs=[
            pl.BlockSpec((ib, np_), lambda i: (i, 0)),
            pl.BlockSpec((ib, np_), lambda i: (i, 0)),
            pl.BlockSpec((ib, ib), lambda i: (i, i)),
            pl.BlockSpec((np_, w1), lambda i: (0, 0)),
            pl.BlockSpec((ib, w1), lambda i: (i, 0)),
            pl.BlockSpec((ib, nh), lambda i: (i, 0)),
            pl.BlockSpec((np_, 1), lambda i: (0, 0)),
            pl.BlockSpec((np_, 1), lambda i: (0, 0)),
            pl.BlockSpec((ib, 1), lambda i: (i, 0)),
            pl.BlockSpec((ib, 1), lambda i: (i, 0)),
            pl.BlockSpec(w_classify.shape, lambda i: (0, 0)),
        ],
        out_specs=pl.BlockSpec((ib, ncls), lambda i: (i, 0)),
        out_shape=jax.ShapeDtypeStruct((np_, ncls), jnp.float32),
    )(a_bf16, a2_i8, a_bf16, r1, r1, r0, d1, d2, d1, d2, w_classify)




def kernel(x, edge_index, w_embed, w_classify):
    n = x.shape[0]
    np_ = ((n + 511) // 512) * 512

    src = edge_index[0].astype(jnp.int32)
    dst = edge_index[1].astype(jnp.int32)

    a_f32 = _build_adj(src, dst, np_).reshape(np_, np_)

    x_pad = jnp.pad(x, ((0, np_ - n), (0, 0)))
    a_m, d1, r0 = _convert(a_f32, x_pad, w_embed, np_)
    a2_i8, d2 = _a2_pass(a_m, np_)

    r1 = _hop1(a_m, a2_i8, r0, d1, d2, np_)
    out = _hop2_classify(a_m, a2_i8, r1, r0, d1, d2, w_classify, np_)
    return out[:n]

# --- scband reference (transcript-rebuilt; emitter-appended) ---
"""Pipeline reference for scband-h2-gcn-net-21801253994546 (READ-ONLY COPY).

The authoritative reference and input builder live on the scoring server;
editing this copy changes nothing except your own understanding.
"""

import jax, jax.numpy as jnp
import numpy as np

N = 10000
E = 320000
NFEAT = 128
HIDDEN = 64
NCLASS = 64
K = 2


def _xavier_uniform(key, shape):
    fan_in, fan_out = shape[0], shape[1]
    a = float(np.sqrt(6.0 / (fan_in + fan_out)))
    return jax.random.uniform(key, shape, dtype=jnp.float32, minval=-a, maxval=a)


def setup_inputs(seed: int = 0) -> dict:
    key = jax.random.key(seed)
    k1, k2, k3, k4 = jax.random.split(key, 4)
    x = jax.random.normal(k1, (N, NFEAT), dtype=jnp.float32)
    # edge_index plays the role of the sparse COO indices of `adj` in the torch module
    edge_index = jax.random.randint(k2, (2, E), 0, N)
    w_embed = _xavier_uniform(k3, (NFEAT, HIDDEN))
    w_classify = _xavier_uniform(k4, ((2 ** (K + 1) - 1) * HIDDEN, NCLASS))
    return {"x": x, "edge_index": edge_index, "w_embed": w_embed, "w_classify": w_classify}


def reference(x, edge_index, w_embed, w_classify):
    n = x.shape[0]
    # Build (dense) adjacency from sparse COO indices; graph assumed undirected
    A = jnp.zeros((n, n), dtype=jnp.float32).at[edge_index[0], edge_index[1]].set(1.0)
    A = jnp.maximum(A, A.T)
    Iden = jnp.eye(n, dtype=jnp.float32)
    # _prepare_prop: a1 = indicator(adj - I); a2 = indicator(adj @ adj - adj - I)
    a1 = ((A - Iden) > 0).astype(jnp.float32)
    A2 = A @ A
    a2 = ((A2 - A - Iden) > 0).astype(jnp.float32)

    def adj_norm(a):
        d = jnp.power(jnp.sum(a, axis=1), -0.5)
        d = jnp.where(jnp.isinf(d), jnp.zeros_like(d), d)
        return d[:, None] * a * d[None, :]

    a1n = adj_norm(a1)
    a2n = adj_norm(a2)

    # forward proper
    rs = [jax.nn.relu(x @ w_embed)]
    for _ in range(K):
        r_last = rs[-1]
        r1 = a1n @ r_last
        r2 = a2n @ r_last
        rs.append(jnp.concatenate([r1, r2], axis=1))
    r_final = jnp.concatenate(rs, axis=1)
    # dropout is a no-op in eval mode
    return jax.nn.log_softmax(r_final @ w_classify, axis=1)

if __name__ == "__main__":
    import jax
    _d = setup_inputs()
    print(jax.jit(kernel)(*tuple(_d.values())))

</pallas_src>

<mosaic_0001>
#map = affine_map<(d0, d1) -> (0)>
module attributes {stable_mosaic.version = 14 : i64} {
  func.func @new_body(%arg0: i32, %arg1: i32, %arg2: memref<320000xi32, #tpu.memory_space<hbm>>, %arg3: memref<320000xi32, #tpu.memory_space<hbm>>, %arg4: memref<20096xf32, #tpu.memory_space<hbm>>, %arg5: memref<104857600xf32, #tpu.memory_space<hbm>>, %arg6: memref<104857600xf32, #tpu.memory_space<hbm>>, %arg7: memref<10000xi32, #tpu.memory_space<vmem>>, %arg8: memref<10000xi32, #tpu.memory_space<vmem>>, %arg9: memref<20096xi32, #tpu.memory_space<vmem>>, %arg10: memref<20096xf32, #tpu.memory_space<vmem>>, %arg11: memref<!tpu.dma_semaphore, #tpu.memory_space<semaphore_mem>>) attributes {dimension_semantics = [#tpu.dimension_semantics<core_parallel>, #tpu.dimension_semantics<subcore_parallel>], iteration_bounds = array<i64: 2, 16>, scalar_prefetch = 0 : i64, scratch_operands = 5 : i64, tpu.core_type = #tpu.core_type<sc_vector_subcore>, window_params = [{transform_indices = #map}, {transform_indices = #map}, {transform_indices = #map}, {transform_indices = #map}, {transform_indices = #map}]} {
    %mul3A = arith.constant 2 : i32
    %mul3A_0 = arith.muli %arg1, %mul3A : i32
    %add3A = arith.addi %mul3A_0, %arg0 : i32
    %mul3A_1 = arith.constant 10000 : i32
    %mul3A_2 = arith.muli %add3A, %mul3A_1 : i32
    "tpu.region"() ({
      %run_scoped3A = tpu.sem_alloc : memref<!tpu.dma_semaphore, #tpu.memory_space<semaphore_mem>>
      %dma_start3A_35 = tpu.memref_slice %arg2[%mul3A_2] : memref<320000xi32, #tpu.memory_space<hbm>> -> memref<10000xi32, #tpu.memory_space<hbm>>
      %dma_start3A_36 = tpu.memref_slice %arg2[%mul3A_2] : memref<320000xi32, #tpu.memory_space<hbm>> -> memref<10000xi32, #tpu.memory_space<hbm>>
      tpu.enqueue_dma source(%dma_start3A_36 : memref<10000xi32, #tpu.memory_space<hbm>>) target(%arg7 : memref<10000xi32, #tpu.memory_space<vmem>>) target_semaphore(%run_scoped3A : memref<!tpu.dma_semaphore, #tpu.memory_space<semaphore_mem>>)
      %dma_wait3A_37 = tpu.memref_slice %arg2[%mul3A_2] : memref<320000xi32, #tpu.memory_space<hbm>> -> memref<10000xi32, #tpu.memory_space<hbm>>
      %dma_wait3A_38 = tpu.memref_slice %arg2[%mul3A_2] : memref<320000xi32, #tpu.memory_space<hbm>> -> memref<10000xi32, #tpu.memory_space<hbm>>
      tpu.wait_dma2 semaphore(%run_scoped3A : memref<!tpu.dma_semaphore, #tpu.memory_space<semaphore_mem>>) src(%dma_wait3A_38 : memref<10000xi32, #tpu.memory_space<hbm>>) dst(%arg7 : memref<10000xi32, #tpu.memory_space<vmem>>)
      tpu.yield
    }) : () -> ()
    "tpu.region"() ({
      %run_scoped3A = tpu.sem_alloc : memref<!tpu.dma_semaphore, #tpu.memory_space<semaphore_mem>>
      %dma_start3A_35 = tpu.memref_slice %arg3[%mul3A_2] : memref<320000xi32, #tpu.memory_space<hbm>> -> memref<10000xi32, #tpu.memory_space<hbm>>
      %dma_start3A_36 = tpu.memref_slice %arg3[%mul3A_2] : memref<320000xi32, #tpu.memory_space<hbm>> -> memref<10000xi32, #tpu.memory_space<hbm>>
      tpu.enqueue_dma source(%dma_start3A_36 : memref<10000xi32, #tpu.memory_space<hbm>>) target(%arg8 : memref<10000xi32, #tpu.memory_space<vmem>>) target_semaphore(%run_scoped3A : memref<!tpu.dma_semaphore, #tpu.memory_space<semaphore_mem>>)
      %dma_wait3A_37 = tpu.memref_slice %arg3[%mul3A_2] : memref<320000xi32, #tpu.memory_space<hbm>> -> memref<10000xi32, #tpu.memory_space<hbm>>
      %dma_wait3A_38 = tpu.memref_slice %arg3[%mul3A_2] : memref<320000xi32, #tpu.memory_space<hbm>> -> memref<10000xi32, #tpu.memory_space<hbm>>
      tpu.wait_dma2 semaphore(%run_scoped3A : memref<!tpu.dma_semaphore, #tpu.memory_space<semaphore_mem>>) src(%dma_wait3A_38 : memref<10000xi32, #tpu.memory_space<hbm>>) dst(%arg8 : memref<10000xi32, #tpu.memory_space<vmem>>)
      tpu.yield
    }) : () -> ()
    "tpu.region"() ({
      %run_scoped3A = tpu.sem_alloc : memref<!tpu.dma_semaphore, #tpu.memory_space<semaphore_mem>>
      tpu.enqueue_dma source(%arg4 : memref<20096xf32, #tpu.memory_space<hbm>>) target(%arg10 : memref<20096xf32, #tpu.memory_space<vmem>>) target_semaphore(%run_scoped3A : memref<!tpu.dma_semaphore, #tpu.memory_space<semaphore_mem>>)
      tpu.wait_dma2 semaphore(%run_scoped3A : memref<!tpu.dma_semaphore, #tpu.memory_space<semaphore_mem>>) src(%arg4 : memref<20096xf32, #tpu.memory_space<hbm>>) dst(%arg10 : memref<20096xf32, #tpu.memory_space<vmem>>)
      tpu.yield
    }) : () -> ()
    %scan3A = arith.constant 0 : i32
    %scan3A_3 = arith.constant 0 : i32
    %scan3A_4 = arith.constant 625 : i32
    %scan3A_5 = arith.addi %scan3A_3, %scan3A_4 : i32
    %scan3A_6 = arith.constant 1 : i32
    scf.for %scan3A_35 = %scan3A_3 to %scan3A_5 step %scan3A_6  : i32 {
      %mul3A_36 = arith.constant 16 : i32
      %mul3A_37 = arith.muli %scan3A_35, %mul3A_36 : i32
      %get3A_38 = arith.index_cast %mul3A_37 : i32 to index
      %get3A_39 = tpu.vector_load %arg7[%get3A_38] {strides = array<i32>} : memref<10000xi32, #tpu.memory_space<vmem>>, vector<16xi32>,
      %get3A_40 = vector.shape_cast %get3A_39 : vector<16xi32> to vector<16xi32>
      %mul3A_41 = arith.constant 16 : i32
      %mul3A_42 = arith.muli %scan3A_35, %mul3A_41 : i32
      %get3A_43 = arith.index_cast %mul3A_42 : i32 to index
      %get3A_44 = tpu.vector_load %arg8[%get3A_43] {strides = array<i32>} : memref<10000xi32, #tpu.memory_space<vmem>>, vector<16xi32>,
      %get3A_45 = vector.shape_cast %get3A_44 : vector<16xi32> to vector<16xi32>
      %mul3A_46 = arith.constant 10240 : i32
      %mul3A_47 = vector.broadcast %mul3A_46 : i32 to vector<16xi32>
      %mul3A_48 = arith.muli %get3A_40, %mul3A_47 : vector<16xi32>
      %add3A_49 = arith.addi %mul3A_48, %get3A_45 : vector<16xi32>
      %mul3A_50 = arith.constant 32 : i32
      %mul3A_51 = arith.muli %scan3A_35, %mul3A_50 : i32
      %swap3A_52 = arith.index_cast %mul3A_51 : i32 to index
      %swap3A_53 = tpu.vector_load %arg9[%swap3A_52] {strides = array<i32>} : memref<20096xi32, #tpu.memory_space<vmem>>, vector<16xi32>,
      %swap3A_54 = vector.shape_cast %swap3A_53 : vector<16xi32> to vector<16xi32>
      %swap3A_55 = vector.shape_cast %add3A_49 : vector<16xi32> to vector<16xi32>
      tpu.vector_store %arg9[%swap3A_52], %swap3A_55 {strides = array<i32>} : memref<20096xi32, #tpu.memory_space<vmem>>, vector<16xi32>,
      %mul3A_56 = arith.constant 10240 : i32
      %mul3A_57 = vector.broadcast %mul3A_56 : i32 to vector<16xi32>
      %mul3A_58 = arith.muli %get3A_45, %mul3A_57 : vector<16xi32>
      %add3A_59 = arith.addi %mul3A_58, %get3A_40 : vector<16xi32>
      %mul3A_60 = arith.constant 32 : i32
      %mul3A_61 = arith.muli %scan3A_35, %mul3A_60 : i32
      %add3A_62 = arith.constant 16 : i32
      %add3A_63 = arith.addi %mul3A_61, %add3A_62 : i32
      %swap3A_64 = arith.index_cast %add3A_63 : i32 to index
      %swap3A_65 = tpu.vector_load %arg9[%swap3A_64] {strides = array<i32>} : memref<20096xi32, #tpu.memory_space<vmem>>, vector<16xi32>,
      %swap3A_66 = vector.shape_cast %swap3A_65 : vector<16xi32> to vector<16xi32>
      %swap3A_67 = vector.shape_cast %add3A_59 : vector<16xi32> to vector<16xi32>
      tpu.vector_store %arg9[%swap3A_64], %swap3A_67 {strides = array<i32>} : memref<20096xi32, #tpu.memory_space<vmem>>, vector<16xi32>,
    }
    %scan3A_7 = arith.constant 625 : i32
    %get3A = arith.constant 0 : index
    %get3A_8 = tpu.vector_load %arg9[%get3A] {strides = array<i32>} : memref<20096xi32, #tpu.memory_space<vmem>>, vector<16xi32>,
    %get3A_9 = vector.shape_cast %get3A_8 : vector<16xi32> to vector<16xi32>
    %swap3A = arith.constant 20000 : index
    %swap3A_10 = tpu.vector_load %arg9[%swap3A] {strides = array<i32>} : memref<20096xi32, #tpu.memory_space<vmem>>, vector<16xi32>,
    %swap3A_11 = vector.shape_cast %swap3A_10 : vector<16xi32> to vector<16xi32>
    %swap3A_12 = vector.shape_cast %get3A_9 : vector<16xi32> to vector<16xi32>
    tpu.vector_store %arg9[%swap3A], %swap3A_12 {strides = array<i32>} : memref<20096xi32, #tpu.memory_space<vmem>>, vector<16xi32>,
    %swap3A_13 = arith.constant 20016 : index
    %swap3A_14 = tpu.vector_load %arg9[%swap3A_13] {strides = array<i32>} : memref<20096xi32, #tpu.memory_space<vmem>>, vector<16xi32>,
    %swap3A_15 = vector.shape_cast %swap3A_14 : vector<16xi32> to vector<16xi32>
    %swap3A_16 = vector.shape_cast %get3A_9 : vector<16xi32> to vector<16xi32>
    tpu.vector_store %arg9[%swap3A_13], %swap3A_16 {strides = array<i32>} : memref<20096xi32, #tpu.memory_space<vmem>>, vector<16xi32>,
    %swap3A_17 = arith.constant 20032 : index
    %swap3A_18 = tpu.vector_load %arg9[%swap3A_17] {strides = array<i32>} : memref<20096xi32, #tpu.memory_space<vmem>>, vector<16xi32>,
    %swap3A_19 = vector.shape_cast %swap3A_18 : vector<16xi32> to vector<16xi32>
    %swap3A_20 = vector.shape_cast %get3A_9 : vector<16xi32> to vector<16xi32>
    tpu.vector_store %arg9[%swap3A_17], %swap3A_20 {strides = array<i32>} : memref<20096xi32, #tpu.memory_space<vmem>>, vector<16xi32>,
    %swap3A_21 = arith.constant 20048 : index
    %swap3A_22 = tpu.vector_load %arg9[%swap3A_21] {strides = array<i32>} : memref<20096xi32, #tpu.memory_space<vmem>>, vector<16xi32>,
    %swap3A_23 = vector.shape_cast %swap3A_22 : vector<16xi32> to vector<16xi32>
    %swap3A_24 = vector.shape_cast %get3A_9 : vector<16xi32> to vector<16xi32>
    tpu.vector_store %arg9[%swap3A_21], %swap3A_24 {strides = array<i32>} : memref<20096xi32, #tpu.memory_space<vmem>>, vector<16xi32>,
    %swap3A_25 = arith.constant 20064 : index
    %swap3A_26 = tpu.vector_load %arg9[%swap3A_25] {strides = array<i32>} : memref<20096xi32, #tpu.memory_space<vmem>>, vector<16xi32>,
    %swap3A_27 = vector.shape_cast %swap3A_26 : vector<16xi32> to vector<16xi32>
    %swap3A_28 = vector.shape_cast %get3A_9 : vector<16xi32> to vector<16xi32>
    tpu.vector_store %arg9[%swap3A_25], %swap3A_28 {strides = array<i32>} : memref<20096xi32, #tpu.memory_space<vmem>>, vector<16xi32>,
    %swap3A_29 = arith.constant 20080 : index
    %swap3A_30 = tpu.vector_load %arg9[%swap3A_29] {strides = array<i32>} : memref<20096xi32, #tpu.memory_space<vmem>>, vector<16xi32>,
    %swap3A_31 = vector.shape_cast %swap3A_30 : vector<16xi32> to vector<16xi32>
    %swap3A_32 = vector.shape_cast %get3A_9 : vector<16xi32> to vector<16xi32>
    tpu.vector_store %arg9[%swap3A_29], %swap3A_32 {strides = array<i32>} : memref<20096xi32, #tpu.memory_space<vmem>>, vector<16xi32>,
    %dma_start3A = arith.constant 0 : i32
    %dma_start3A_33 = tpu.memref_slice %arg5[%dma_start3A] : memref<104857600xf32, #tpu.memory_space<hbm>> -> memref<104857600xf32, #tpu.memory_space<hbm>>
    tpu.enqueue_indirect_dma source(%arg10 : memref<20096xf32, #tpu.memory_space<vmem>>) target(%dma_start3A_33 : memref<104857600xf32, #tpu.memory_space<hbm>>) offsets(%arg9 : memref<20096xi32, #tpu.memory_space<vmem>>) semaphore(%arg11 : memref<!tpu.dma_semaphore, #tpu.memory_space<semaphore_mem>>)
    %dma_wait3A = arith.constant 0 : i32
    %dma_wait3A_34 = tpu.memref_slice %arg5[%dma_wait3A] : memref<104857600xf32, #tpu.memory_space<hbm>> -> memref<104857600xf32, #tpu.memory_space<hbm>>
    tpu.wait_indirect_dma semaphore(%arg11 : memref<!tpu.dma_semaphore, #tpu.memory_space<semaphore_mem>>) src(%arg10 : memref<20096xf32, #tpu.memory_space<vmem>>) dst(%dma_wait3A_34 : memref<104857600xf32, #tpu.memory_space<hbm>>)
    return
  }
}

module attributes {stable_mosaic.version = 14 : i64} {
  func.func @body(%arg0: i32, %arg1: memref<256x10240xf32, #tpu.memory_space<vmem>>, %arg2: memref<256x256xf32, #tpu.memory_space<vmem>>, %arg3: memref<256x128xf32, #tpu.memory_space<vmem>>, %arg4: memref<128x64xf32, #tpu.memory_space<vmem>>, %arg5: memref<256x10240xf8E4M3FN, #tpu.memory_space<vmem>>, %arg6: memref<256x1xf32, #tpu.memory_space<vmem>>, %arg7: memref<256x64xf32, #tpu.memory_space<vmem>>) attributes {dimension_semantics = [#tpu.dimension_semantics<arbitrary>], iteration_bounds = array<i64: 40>, scalar_prefetch = 0 : i64, scratch_operands = 0 : i64, tpu.core_type = #tpu.core_type<tc>, window_params = [{transform_indices = @transform_0, window_bounds = array<i64: 256, 10240>}, {transform_indices = @transform_1, window_bounds = array<i64: 256, 256>}, {transform_indices = @transform_2, window_bounds = array<i64: 256, 128>}, {pipeline_mode = #tpu.pipeline_mode<synchronous>, transform_indices = @transform_3, window_bounds = array<i64: 128, 64>}, {transform_indices = @transform_4, window_bounds = array<i64: 256, 10240>}, {transform_indices = @transform_5, window_bounds = array<i64: 256, 1>}, {transform_indices = @transform_6, window_bounds = array<i64: 256, 64>}]} {
    %get3A = arith.constant 0 : index
    %get3A_0 = arith.constant 0 : index
    %get3A_1 = vector.load %arg1[%get3A, %get3A_0] : memref<256x10240xf32, #tpu.memory_space<vmem>>, vector<256x10240xf32>
    %convert_element_type3A = arith.truncf %get3A_1 : vector<256x10240xf32> to vector<256x10240xf8E4M3FN>
    %swap3A = arith.constant 0 : index
    %swap3A_2 = arith.constant 0 : index
    %swap3A_3 = vector.load %arg5[%swap3A, %swap3A_2] : memref<256x10240xf8E4M3FN, #tpu.memory_space<vmem>>, vector<256x10240xf8E4M3FN>
    tpu.vector_store %arg5[%swap3A, %swap3A_2], %convert_element_type3A {strides = array<i32>} : memref<256x10240xf8E4M3FN, #tpu.memory_space<vmem>>, vector<256x10240xf8E4M3FN>,
    %get3A_4 = arith.constant 0 : index
    %get3A_5 = arith.constant 0 : index
    %get3A_6 = vector.load %arg2[%get3A_4, %get3A_5] : memref<256x256xf32, #tpu.memory_space<vmem>>, vector<256x256xf32>
    %iota3A = tpu.iota {dimensions = array<i32: 0>} : vector<256x256xi32>
    %iota3A_7 = tpu.iota {dimensions = array<i32: 1>} : vector<256x256xi32>
    %eq3A = arith.cmpi eq, %iota3A, %iota3A_7 : vector<256x256xi32>
    %jit3A = arith.constant 0.000000e+00 : f32
    %broadcast_in_dim3A = vector.broadcast %jit3A : f32 to vector<256x256xf32>
    %select_n3A = arith.select %eq3A, %get3A_6, %broadcast_in_dim3A : vector<256x256xi1>, vector<256x256xf32>
    %reduce_sum3A = arith.constant dense<0.000000e+00> : vector<256xf32>
    %reduce_sum3A_8 = vector.multi_reduction <add>, %select_n3A, %reduce_sum3A [1] : vector<256x256xf32> to vector<256xf32>
    %broadcast_in_dim3A_9 = vector.shape_cast %reduce_sum3A_8 : vector<256xf32> to vector<256x1xf32>
    %reduce_sum3A_10 = arith.constant dense<0.000000e+00> : vector<256xf32>
    %reduce_sum3A_11 = vector.multi_reduction <add>, %get3A_1, %reduce_sum3A_10 [1] : vector<256x10240xf32> to vector<256xf32>
    %broadcast_in_dim3A_12 = vector.shape_cast %reduce_sum3A_11 : vector<256xf32> to vector<256x1xf32>
    %sub3A = arith.subf %broadcast_in_dim3A_12, %broadcast_in_dim3A_9 : vector<256x1xf32>
    %swap3A_13 = arith.constant 0 : index
    %swap3A_14 = arith.constant 0 : index
    %swap3A_15 = vector.load %arg6[%swap3A_13, %swap3A_14] : memref<256x1xf32, #tpu.memory_space<vmem>>, vector<256x1xf32>
    tpu.vector_store %arg6[%swap3A_13, %swap3A_14], %sub3A {strides = array<i32>} : memref<256x1xf32, #tpu.memory_space<vmem>>, vector<256x1xf32>,
    %get3A_16 = arith.constant 0 : index
    %get3A_17 = arith.constant 0 : index
    %get3A_18 = vector.load %arg3[%get3A_16, %get3A_17] : memref<256x128xf32, #tpu.memory_space<vmem>>, vector<256x128xf32>
    %get3A_19 = arith.constant 0 : index
    %get3A_20 = arith.constant 0 : index
    %get3A_21 = vector.load %arg4[%get3A_19, %get3A_20] : memref<128x64xf32, #tpu.memory_space<vmem>>, vector<128x64xf32>
    %dot_general3A = arith.constant dense<0.000000e+00> : vector<256x64xf32>
    %dot_general3A_22 = tpu.matmul %get3A_18, %get3A_21, %dot_general3A {dimension_numbers = #tpu.dot_dimension_numbers<[1], [0], [0], [1], [0, 0, 1, 1], [], []>, transpose_lhs_hint = false} : vector<256x128xf32>, vector<128x64xf32>, vector<256x64xf32> -> vector<256x64xf32>
    %max3A = arith.constant 0.000000e+00 : f32
    %max3A_23 = vector.broadcast %max3A : f32 to vector<256x64xf32>
    %max3A_24 = arith.maximumf %dot_general3A_22, %max3A_23 : vector<256x64xf32>
    %swap3A_25 = arith.constant 0 : index
    %swap3A_26 = arith.constant 0 : index
    %swap3A_27 = vector.load %arg7[%swap3A_25, %swap3A_26] : memref<256x64xf32, #tpu.memory_space<vmem>>, vector<256x64xf32>
    tpu.vector_store %arg7[%swap3A_25, %swap3A_26], %max3A_24 {strides = array<i32>} : memref<256x64xf32, #tpu.memory_space<vmem>>, vector<256x64xf32>,
    return
  }
  func.func @transform_0(%arg0: i32) -> (i32, i32) {
    %c0_i32 = arith.constant 0 : i32
    %c0_i32_0 = arith.constant 0 : i32
    return %arg0, %c0_i32 : i32, i32
  }
  func.func @transform_1(%arg0: i32) -> (i32, i32) {
    %c0_i32 = arith.constant 0 : i32
    return %arg0, %arg0 : i32, i32
  }
  func.func @transform_2(%arg0: i32) -> (i32, i32) {
    %c0_i32 = arith.constant 0 : i32
    %c0_i32_0 = arith.constant 0 : i32
    return %arg0, %c0_i32 : i32, i32
  }
  func.func @transform_3(%arg0: i32) -> (i32, i32) {
    %c0_i32 = arith.constant 0 : i32
    %c0_i32_0 = arith.constant 0 : i32
    %c0_i32_1 = arith.constant 0 : i32
    return %c0_i32, %c0_i32_0 : i32, i32
  }
  func.func @transform_4(%arg0: i32) -> (i32, i32) {
    %c0_i32 = arith.constant 0 : i32
    %c0_i32_0 = arith.constant 0 : i32
    return %arg0, %c0_i32 : i32, i32
  }
  func.func @transform_5(%arg0: i32) -> (i32, i32) {
    %c0_i32 = arith.constant 0 : i32
    %c0_i32_0 = arith.constant 0 : i32
    return %arg0, %c0_i32 : i32, i32
  }
  func.func @transform_6(%arg0: i32) -> (i32, i32) {
    %c0_i32 = arith.constant 0 : i32
    %c0_i32_0 = arith.constant 0 : i32
    return %arg0, %c0_i32 : i32, i32
  }
}

module attributes {stable_mosaic.version = 14 : i64} {
  func.func @body(%arg0: i32, %arg1: i32, %arg2: memref<512x10240xf8E4M3FN, #tpu.memory_space<vmem>>, %arg3: memref<10240x512xf8E4M3FN, #tpu.memory_space<vmem>>, %arg4: memref<512x512xf8E4M3FN, #tpu.memory_space<vmem>>, %arg5: memref<512x512xi8, #tpu.memory_space<vmem>>) attributes {dimension_semantics = [#tpu.dimension_semantics<arbitrary>, #tpu.dimension_semantics<arbitrary>], iteration_bounds = array<i64: 10, 21>, scalar_prefetch = 0 : i64, scratch_operands = 0 : i64, tpu.core_type = #tpu.core_type<tc>, window_params = [{transform_indices = @transform_0, window_bounds = array<i64: 512, 10240>}, {transform_indices = @transform_1, window_bounds = array<i64: 10240, 512>}, {transform_indices = @transform_2, window_bounds = array<i64: 512, 512>}, {transform_indices = @transform_3, window_bounds = array<i64: 512, 512>}]} {
    %ge3A = arith.cmpi sge, %arg1, %arg0 : i32
    %lt3A = arith.constant 20 : i32
    %lt3A_0 = arith.cmpi slt, %arg1, %lt3A : i32
    %and3A = arith.andi %ge3A, %lt3A_0 : i1
    %sub3A = arith.constant 19 : i32
    %sub3A_1 = arith.subi %sub3A, %arg0 : i32
    %select_n3A = arith.select %and3A, %arg0, %sub3A_1 : i32
    %eq3A = arith.constant 20 : i32
    %eq3A_2 = arith.cmpi eq, %arg1, %eq3A : i32
    %sub3A_3 = arith.constant 19 : i32
    %sub3A_4 = arith.subi %sub3A_3, %arg0 : i32
    %sub3A_5 = arith.constant 19 : i32
    %sub3A_6 = arith.subi %sub3A_5, %arg1 : i32
    %select_n3A_7 = arith.select %eq3A_2, %sub3A_4, %sub3A_6 : i32
    %select_n3A_8 = arith.select %and3A, %arg1, %select_n3A_7 : i32
    %get3A = arith.constant 0 : index
    %get3A_9 = arith.constant 0 : index
    %get3A_10 = vector.load %arg2[%get3A, %get3A_9] : memref<512x10240xf8E4M3FN, #tpu.memory_space<vmem>>, vector<512x10240xf8E4M3FN>
    %get3A_11 = arith.constant 0 : index
    %get3A_12 = arith.constant 0 : index
    %get3A_13 = vector.load %arg3[%get3A_11, %get3A_12] : memref<10240x512xf8E4M3FN, #tpu.memory_space<vmem>>, vector<10240x512xf8E4M3FN>
    %dot_general3A = arith.constant dense<0.000000e+00> : vector<512x512xf32>
    %dot_general3A_14 = tpu.matmul %get3A_10, %get3A_13, %dot_general3A {dimension_numbers = #tpu.dot_dimension_numbers<[1], [0], [0], [1], [0, 0, 1, 1], [], []>, transpose_lhs_hint = false} : vector<512x10240xf8E4M3FN>, vector<10240x512xf8E4M3FN>, vector<512x512xf32> -> vector<512x512xf32>
    %get3A_15 = arith.constant 0 : index
    %get3A_16 = arith.constant 0 : index
    %get3A_17 = vector.load %arg4[%get3A_15, %get3A_16] : memref<512x512xf8E4M3FN, #tpu.memory_space<vmem>>, vector<512x512xf8E4M3FN>
    %convert_element_type3A = arith.extf %get3A_17 : vector<512x512xf8E4M3FN> to vector<512x512xf32>
    %iota3A = tpu.iota {dimensions = array<i32: 0>} : vector<512x512xi32>
    %mul3A = arith.constant 512 : i32
    %mul3A_18 = arith.muli %select_n3A, %mul3A : i32
    %add3A = vector.broadcast %mul3A_18 : i32 to vector<512x512xi32>
    %add3A_19 = arith.addi %iota3A, %add3A : vector<512x512xi32>
    %iota3A_20 = tpu.iota {dimensions = array<i32: 1>} : vector<512x512xi32>
    %mul3A_21 = arith.constant 512 : i32
    %mul3A_22 = arith.muli %select_n3A_8, %mul3A_21 : i32
    %add3A_23 = vector.broadcast %mul3A_22 : i32 to vector<512x512xi32>
    %add3A_24 = arith.addi %iota3A_20, %add3A_23 : vector<512x512xi32>
    %eq3A_25 = arith.cmpi eq, %add3A_19, %add3A_24 : vector<512x512xi32>
    %jit3A = arith.constant 1 : i32
    %jit3A_26 = arith.constant 0 : i32
    %broadcast_in_dim3A = vector.broadcast %jit3A : i32 to vector<512x512xi32>
    %broadcast_in_dim3A_27 = vector.broadcast %jit3A_26 : i32 to vector<512x512xi32>
    %select_n3A_28 = arith.select %eq3A_25, %broadcast_in_dim3A, %broadcast_in_dim3A_27 : vector<512x512xi1>, vector<512x512xi32>
    %convert_element_type3A_29 = arith.sitofp %select_n3A_28 : vector<512x512xi32> to vector<512x512xf32>
    %sub3A_30 = arith.subf %dot_general3A_14, %convert_element_type3A : vector<512x512xf32>
    %sub3A_31 = arith.subf %sub3A_30, %convert_element_type3A_29 : vector<512x512xf32>
    %gt3A = arith.constant 5.000000e-01 : f32
    %gt3A_32 = vector.broadcast %gt3A : f32 to vector<512x512xf32>
    %gt3A_33 = arith.cmpf ogt, %sub3A_31, %gt3A_32 : vector<512x512xf32>
    %convert_element_type3A_34 = arith.extui %gt3A_33 : vector<512x512xi1> to vector<512x512xi8>
    %swap3A = arith.constant 0 : index
    %swap3A_35 = arith.constant 0 : index
    %swap3A_36 = vector.load %arg5[%swap3A, %swap3A_35] : memref<512x512xi8, #tpu.memory_space<vmem>>, vector<512x512xi8>
    tpu.vector_store %arg5[%swap3A, %swap3A_35], %convert_element_type3A_34 {strides = array<i32>} : memref<512x512xi8, #tpu.memory_space<vmem>>, vector<512x512xi8>,
    return
  }
  func.func @transform_0(%arg0: i32, %arg1: i32) -> (i32, i32) {
    %ge3A = arith.cmpi sge, %arg1, %arg0 : i32
    %lt3A = arith.constant 20 : i32
    %lt3A_0 = arith.cmpi slt, %arg1, %lt3A : i32
    %and3A = arith.andi %ge3A, %lt3A_0 : i1
    %sub3A = arith.constant 19 : i32
    %sub3A_1 = arith.subi %sub3A, %arg0 : i32
    %select_n3A = arith.select %and3A, %arg0, %sub3A_1 : i32
    %eq3A = arith.constant 20 : i32
    %eq3A_2 = arith.cmpi eq, %arg1, %eq3A : i32
    %sub3A_3 = arith.constant 19 : i32
    %sub3A_4 = arith.subi %sub3A_3, %arg0 : i32
    %sub3A_5 = arith.constant 19 : i32
    %sub3A_6 = arith.subi %sub3A_5, %arg1 : i32
    %select_n3A_7 = arith.select %eq3A_2, %sub3A_4, %sub3A_6 : i32
    %select_n3A_8 = arith.select %and3A, %arg1, %select_n3A_7 : i32
    %c0_i32 = arith.constant 0 : i32
    %c0_i32_9 = arith.constant 0 : i32
    return %select_n3A, %c0_i32 : i32, i32
  }
  func.func @transform_1(%arg0: i32, %arg1: i32) -> (i32, i32) {
    %ge3A = arith.cmpi sge, %arg1, %arg0 : i32
    %lt3A = arith.constant 20 : i32
    %lt3A_0 = arith.cmpi slt, %arg1, %lt3A : i32
    %and3A = arith.andi %ge3A, %lt3A_0 : i1
    %sub3A = arith.constant 19 : i32
    %sub3A_1 = arith.subi %sub3A, %arg0 : i32
    %select_n3A = arith.select %and3A, %arg0, %sub3A_1 : i32
    %eq3A = arith.constant 20 : i32
    %eq3A_2 = arith.cmpi eq, %arg1, %eq3A : i32
    %sub3A_3 = arith.constant 19 : i32
    %sub3A_4 = arith.subi %sub3A_3, %arg0 : i32
    %sub3A_5 = arith.constant 19 : i32
    %sub3A_6 = arith.subi %sub3A_5, %arg1 : i32
    %select_n3A_7 = arith.select %eq3A_2, %sub3A_4, %sub3A_6 : i32
    %select_n3A_8 = arith.select %and3A, %arg1, %select_n3A_7 : i32
    %c0_i32 = arith.constant 0 : i32
    %c0_i32_9 = arith.constant 0 : i32
    return %c0_i32, %select_n3A_8 : i32, i32
  }
  func.func @transform_2(%arg0: i32, %arg1: i32) -> (i32, i32) {
    %ge3A = arith.cmpi sge, %arg1, %arg0 : i32
    %lt3A = arith.constant 20 : i32
    %lt3A_0 = arith.cmpi slt, %arg1, %lt3A : i32
    %and3A = arith.andi %ge3A, %lt3A_0 : i1
    %sub3A = arith.constant 19 : i32
    %sub3A_1 = arith.subi %sub3A, %arg0 : i32
    %select_n3A = arith.select %and3A, %arg0, %sub3A_1 : i32
    %eq3A = arith.constant 20 : i32
    %eq3A_2 = arith.cmpi eq, %arg1, %eq3A : i32
    %sub3A_3 = arith.constant 19 : i32
    %sub3A_4 = arith.subi %sub3A_3, %arg0 : i32
    %sub3A_5 = arith.constant 19 : i32
    %sub3A_6 = arith.subi %sub3A_5, %arg1 : i32
    %select_n3A_7 = arith.select %eq3A_2, %sub3A_4, %sub3A_6 : i32
    %select_n3A_8 = arith.select %and3A, %arg1, %select_n3A_7 : i32
    %c0_i32 = arith.constant 0 : i32
    return %select_n3A, %select_n3A_8 : i32, i32
  }
  func.func @transform_3(%arg0: i32, %arg1: i32) -> (i32, i32) {
    %ge3A = arith.cmpi sge, %arg1, %arg0 : i32
    %lt3A = arith.constant 20 : i32
    %lt3A_0 = arith.cmpi slt, %arg1, %lt3A : i32
    %and3A = arith.andi %ge3A, %lt3A_0 : i1
    %sub3A = arith.constant 19 : i32
    %sub3A_1 = arith.subi %sub3A, %arg0 : i32
    %select_n3A = arith.select %and3A, %arg0, %sub3A_1 : i32
    %eq3A = arith.constant 20 : i32
    %eq3A_2 = arith.cmpi eq, %arg1, %eq3A : i32
    %sub3A_3 = arith.constant 19 : i32
    %sub3A_4 = arith.subi %sub3A_3, %arg0 : i32
    %sub3A_5 = arith.constant 19 : i32
    %sub3A_6 = arith.subi %sub3A_5, %arg1 : i32
    %select_n3A_7 = arith.select %eq3A_2, %sub3A_4, %sub3A_6 : i32
    %select_n3A_8 = arith.select %and3A, %arg1, %select_n3A_7 : i32
    %c0_i32 = arith.constant 0 : i32
    return %select_n3A, %select_n3A_8 : i32, i32
  }
}

module attributes {stable_mosaic.version = 14 : i64} {
  func.func @mirror_body(%arg0: i32, %arg1: i32, %arg2: memref<512x512xi8, #tpu.memory_space<vmem>>, %arg3: memref<512x512xi8, #tpu.memory_space<vmem>>, %arg4: memref<512x1xf32, #tpu.memory_space<vmem>>) attributes {dimension_semantics = [#tpu.dimension_semantics<arbitrary>, #tpu.dimension_semantics<arbitrary>], iteration_bounds = array<i64: 20, 20>, scalar_prefetch = 0 : i64, scratch_operands = 0 : i64, tpu.core_type = #tpu.core_type<tc>, window_params = [{transform_indices = @transform_0, window_bounds = array<i64: 512, 512>}, {transform_indices = @transform_1, window_bounds = array<i64: 512, 512>}, {transform_indices = @transform_2, window_bounds = array<i64: 512, 1>}]} {
    %ge3A = arith.cmpi sge, %arg1, %arg0 : i32
    %convert_element_type3A = arith.extui %ge3A : i1 to i32
    %cond3A = arith.constant 0 : i32
    %cond3A_0 = arith.cmpi ne, %convert_element_type3A, %cond3A : i32
    scf.if %cond3A_0 {
      %get3A = arith.constant 0 : index
      %get3A_4 = arith.constant 0 : index
      %get3A_5 = vector.load %arg2[%get3A, %get3A_4] : memref<512x512xi8, #tpu.memory_space<vmem>>, vector<512x512xi8>
      %swap3A = arith.constant 0 : index
      %swap3A_6 = arith.constant 0 : index
      %swap3A_7 = vector.load %arg3[%swap3A, %swap3A_6] : memref<512x512xi8, #tpu.memory_space<vmem>>, vector<512x512xi8>
      tpu.vector_store %arg3[%swap3A, %swap3A_6], %get3A_5 {strides = array<i32>} : memref<512x512xi8, #tpu.memory_space<vmem>>, vector<512x512xi8>,
      %convert_element_type3A_8 = arith.sitofp %get3A_5 : vector<512x512xi8> to vector<512x512xf32>
      %reduce_sum3A = arith.constant dense<0.000000e+00> : vector<512xf32>
      %reduce_sum3A_9 = vector.multi_reduction <add>, %convert_element_type3A_8, %reduce_sum3A [1] : vector<512x512xf32> to vector<512xf32>
      %broadcast_in_dim3A = vector.shape_cast %reduce_sum3A_9 : vector<512xf32> to vector<512x1xf32>
      %eq3A = arith.constant 0 : i32
      %eq3A_10 = arith.cmpi eq, %arg1, %eq3A : i32
      %convert_element_type3A_11 = arith.extui %eq3A_10 : i1 to i32
      %cond3A_12 = arith.constant 0 : i32
      %cond3A_13 = arith.cmpi ne, %convert_element_type3A_11, %cond3A_12 : i32
      scf.if %cond3A_13 {
        %swap3A_18 = arith.constant 0 : index
        %swap3A_19 = arith.constant 0 : index
        %swap3A_20 = vector.load %arg4[%swap3A_18, %swap3A_19] : memref<512x1xf32, #tpu.memory_space<vmem>>, vector<512x1xf32>
        tpu.vector_store %arg4[%swap3A_18, %swap3A_19], %broadcast_in_dim3A {strides = array<i32>} : memref<512x1xf32, #tpu.memory_space<vmem>>, vector<512x1xf32>,
      } else {
      }
      %gt3A = arith.constant 0 : i32
      %gt3A_14 = arith.cmpi sgt, %arg1, %gt3A : i32
      %convert_element_type3A_15 = arith.extui %gt3A_14 : i1 to i32
      %cond3A_16 = arith.constant 0 : i32
      %cond3A_17 = arith.cmpi ne, %convert_element_type3A_15, %cond3A_16 : i32
      scf.if %cond3A_17 {
        %get3A_18 = arith.constant 0 : index
        %get3A_19 = arith.constant 0 : index
        %get3A_20 = vector.load %arg4[%get3A_18, %get3A_19] : memref<512x1xf32, #tpu.memory_space<vmem>>, vector<512x1xf32>
        %add3A = arith.addf %get3A_20, %broadcast_in_dim3A : vector<512x1xf32>
        %swap3A_21 = arith.constant 0 : index
        %swap3A_22 = arith.constant 0 : index
        %swap3A_23 = vector.load %arg4[%swap3A_21, %swap3A_22] : memref<512x1xf32, #tpu.memory_space<vmem>>, vector<512x1xf32>
        tpu.vector_store %arg4[%swap3A_21, %swap3A_22], %add3A {strides = array<i32>} : memref<512x1xf32, #tpu.memory_space<vmem>>, vector<512x1xf32>,
      } else {
      }
    } else {
    }
    %lt3A = arith.cmpi slt, %arg1, %arg0 : i32
    %convert_element_type3A_1 = arith.extui %lt3A : i1 to i32
    %cond3A_2 = arith.constant 0 : i32
    %cond3A_3 = arith.cmpi ne, %convert_element_type3A_1, %cond3A_2 : i32
    scf.if %cond3A_3 {
      %get3A = arith.constant 0 : index
      %get3A_4 = arith.constant 0 : index
      %get3A_5 = vector.load %arg2[%get3A, %get3A_4] : memref<512x512xi8, #tpu.memory_space<vmem>>, vector<512x512xi8>
      %convert_element_type3A_6 = arith.sitofp %get3A_5 : vector<512x512xi8> to vector<512x512xf32>
      %transpose3A = tpu.transpose %convert_element_type3A_6, [1, 0] : vector<512x512xf32> -> vector<512x512xf32>
      %convert_element_type3A_7 = arith.fptosi %transpose3A : vector<512x512xf32> to vector<512x512xi8>
      %swap3A = arith.constant 0 : index
      %swap3A_8 = arith.constant 0 : index
      %swap3A_9 = vector.load %arg3[%swap3A, %swap3A_8] : memref<512x512xi8, #tpu.memory_space<vmem>>, vector<512x512xi8>
      tpu.vector_store %arg3[%swap3A, %swap3A_8], %convert_element_type3A_7 {strides = array<i32>} : memref<512x512xi8, #tpu.memory_space<vmem>>, vector<512x512xi8>,
      %reduce_sum3A = arith.constant dense<0.000000e+00> : vector<512xf32>
      %reduce_sum3A_10 = vector.multi_reduction <add>, %transpose3A, %reduce_sum3A [1] : vector<512x512xf32> to vector<512xf32>
      %broadcast_in_dim3A = vector.shape_cast %reduce_sum3A_10 : vector<512xf32> to vector<512x1xf32>
      %eq3A = arith.constant 0 : i32
      %eq3A_11 = arith.cmpi eq, %arg1, %eq3A : i32
      %convert_element_type3A_12 = arith.extui %eq3A_11 : i1 to i32
      %cond3A_13 = arith.constant 0 : i32
      %cond3A_14 = arith.cmpi ne, %convert_element_type3A_12, %cond3A_13 : i32
      scf.if %cond3A_14 {
        %swap3A_19 = arith.constant 0 : index
        %swap3A_20 = arith.constant 0 : index
        %swap3A_21 = vector.load %arg4[%swap3A_19, %swap3A_20] : memref<512x1xf32, #tpu.memory_space<vmem>>, vector<512x1xf32>
        tpu.vector_store %arg4[%swap3A_19, %swap3A_20], %broadcast_in_dim3A {strides = array<i32>} : memref<512x1xf32, #tpu.memory_space<vmem>>, vector<512x1xf32>,
      } else {
      }
      %gt3A = arith.constant 0 : i32
      %gt3A_15 = arith.cmpi sgt, %arg1, %gt3A : i32
      %convert_element_type3A_16 = arith.extui %gt3A_15 : i1 to i32
      %cond3A_17 = arith.constant 0 : i32
      %cond3A_18 = arith.cmpi ne, %convert_element_type3A_16, %cond3A_17 : i32
      scf.if %cond3A_18 {
        %get3A_19 = arith.constant 0 : index
        %get3A_20 = arith.constant 0 : index
        %get3A_21 = vector.load %arg4[%get3A_19, %get3A_20] : memref<512x1xf32, #tpu.memory_space<vmem>>, vector<512x1xf32>
        %add3A = arith.addf %get3A_21, %broadcast_in_dim3A : vector<512x1xf32>
        %swap3A_22 = arith.constant 0 : index
        %swap3A_23 = arith.constant 0 : index
        %swap3A_24 = vector.load %arg4[%swap3A_22, %swap3A_23] : memref<512x1xf32, #tpu.memory_space<vmem>>, vector<512x1xf32>
        tpu.vector_store %arg4[%swap3A_22, %swap3A_23], %add3A {strides = array<i32>} : memref<512x1xf32, #tpu.memory_space<vmem>>, vector<512x1xf32>,
      } else {
      }
    } else {
    }
    return
  }
  func.func @transform_0(%arg0: i32, %arg1: i32) -> (i32, i32) {
    %min3A = arith.minsi %arg0, %arg1 : i32
    %max3A = arith.maxsi %arg0, %arg1 : i32
    %c0_i32 = arith.constant 0 : i32
    return %min3A, %max3A : i32, i32
  }
  func.func @transform_1(%arg0: i32, %arg1: i32) -> (i32, i32) {
    %c0_i32 = arith.constant 0 : i32
    return %arg0, %arg1 : i32, i32
  }
  func.func @transform_2(%arg0: i32, %arg1: i32) -> (i32, i32) {
    %c0_i32 = arith.constant 0 : i32
    %c0_i32_0 = arith.constant 0 : i32
    return %arg0, %c0_i32 : i32, i32
  }
}

module attributes {stable_mosaic.version = 14 : i64} {
  func.func @body(%arg0: i32, %arg1: memref<256x10240xf8E4M3FN, #tpu.memory_space<vmem>>, %arg2: memref<256x10240xi8, #tpu.memory_space<vmem>>, %arg3: memref<256x256xf8E4M3FN, #tpu.memory_space<vmem>>, %arg4: memref<10240x64xf32, #tpu.memory_space<vmem>>, %arg5: memref<256x64xf32, #tpu.memory_space<vmem>>, %arg6: memref<10240x1xf32, #tpu.memory_space<vmem>>, %arg7: memref<10240x1xf32, #tpu.memory_space<vmem>>, %arg8: memref<256x1xf32, #tpu.memory_space<vmem>>, %arg9: memref<256x1xf32, #tpu.memory_space<vmem>>, %arg10: memref<256x128xf32, #tpu.memory_space<vmem>>) attributes {dimension_semantics = [#tpu.dimension_semantics<arbitrary>], iteration_bounds = array<i64: 40>, scalar_prefetch = 0 : i64, scratch_operands = 0 : i64, tpu.core_type = #tpu.core_type<tc>, window_params = [{transform_indices = @transform_0, window_bounds = array<i64: 256, 10240>}, {transform_indices = @transform_1, window_bounds = array<i64: 256, 10240>}, {transform_indices = @transform_2, window_bounds = array<i64: 256, 256>}, {pipeline_mode = #tpu.pipeline_mode<synchronous>, transform_indices = @transform_3, window_bounds = array<i64: 10240, 64>}, {transform_indices = @transform_4, window_bounds = array<i64: 256, 64>}, {pipeline_mode = #tpu.pipeline_mode<synchronous>, transform_indices = @transform_5, window_bounds = array<i64: 10240, 1>}, {pipeline_mode = #tpu.pipeline_mode<synchronous>, transform_indices = @transform_6, window_bounds = array<i64: 10240, 1>}, {transform_indices = @transform_7, window_bounds = array<i64: 256, 1>}, {transform_indices = @transform_8, window_bounds = array<i64: 256, 1>}, {transform_indices = @transform_9, window_bounds = array<i64: 256, 128>}]} {
    %get3A = arith.constant 0 : index
    %get3A_0 = arith.constant 0 : index
    %get3A_1 = vector.load %arg6[%get3A, %get3A_0] : memref<10240x1xf32, #tpu.memory_space<vmem>>, vector<10240x1xf32>
    %gt3A = arith.constant 0.000000e+00 : f32
    %gt3A_2 = vector.broadcast %gt3A : f32 to vector<10240x1xf32>
    %gt3A_3 = arith.cmpf ogt, %get3A_1, %gt3A_2 : vector<10240x1xf32>
    %max3A = arith.constant 1.000000e-30 : f32
    %max3A_4 = vector.broadcast %max3A : f32 to vector<10240x1xf32>
    %max3A_5 = arith.maximumf %get3A_1, %max3A_4 : vector<10240x1xf32>
    %rsqrt3A = math.rsqrt %max3A_5 : vector<10240x1xf32>
    %jit3A = arith.constant 0.000000e+00 : f32
    %broadcast_in_dim3A = vector.broadcast %jit3A : f32 to vector<10240x1xf32>
    %select_n3A = arith.select %gt3A_3, %rsqrt3A, %broadcast_in_dim3A : vector<10240x1xi1>, vector<10240x1xf32>
    %get3A_6 = arith.constant 0 : index
    %get3A_7 = arith.constant 0 : index
    %get3A_8 = vector.load %arg7[%get3A_6, %get3A_7] : memref<10240x1xf32, #tpu.memory_space<vmem>>, vector<10240x1xf32>
    %gt3A_9 = arith.constant 0.000000e+00 : f32
    %gt3A_10 = vector.broadcast %gt3A_9 : f32 to vector<10240x1xf32>
    %gt3A_11 = arith.cmpf ogt, %get3A_8, %gt3A_10 : vector<10240x1xf32>
    %max3A_12 = arith.constant 1.000000e-30 : f32
    %max3A_13 = vector.broadcast %max3A_12 : f32 to vector<10240x1xf32>
    %max3A_14 = arith.maximumf %get3A_8, %max3A_13 : vector<10240x1xf32>
    %rsqrt3A_15 = math.rsqrt %max3A_14 : vector<10240x1xf32>
    %jit3A_16 = arith.constant 0.000000e+00 : f32
    %broadcast_in_dim3A_17 = vector.broadcast %jit3A_16 : f32 to vector<10240x1xf32>
    %select_n3A_18 = arith.select %gt3A_11, %rsqrt3A_15, %broadcast_in_dim3A_17 : vector<10240x1xi1>, vector<10240x1xf32>
    %get3A_19 = arith.constant 0 : index
    %get3A_20 = arith.constant 0 : index
    %get3A_21 = vector.load %arg4[%get3A_19, %get3A_20] : memref<10240x64xf32, #tpu.memory_space<vmem>>, vector<10240x64xf32>
    %mul3A = vector.broadcast %select_n3A : vector<10240x1xf32> to vector<10240x64xf32>
    %mul3A_22 = arith.mulf %mul3A, %get3A_21 : vector<10240x64xf32>
    %convert_element_type3A = arith.truncf %mul3A_22 : vector<10240x64xf32> to vector<10240x64xbf16>
    %mul3A_23 = vector.broadcast %select_n3A_18 : vector<10240x1xf32> to vector<10240x64xf32>
    %mul3A_24 = arith.mulf %mul3A_23, %get3A_21 : vector<10240x64xf32>
    %convert_element_type3A_25 = arith.truncf %mul3A_24 : vector<10240x64xf32> to vector<10240x64xbf16>
    %get3A_26 = arith.constant 0 : index
    %get3A_27 = arith.constant 0 : index
    %get3A_28 = vector.load %arg1[%get3A_26, %get3A_27] : memref<256x10240xf8E4M3FN, #tpu.memory_space<vmem>>, vector<256x10240xf8E4M3FN>
    %convert_element_type3A_29 = arith.extf %get3A_28 : vector<256x10240xf8E4M3FN> to vector<256x10240xbf16>
    %dot_general3A = arith.constant dense<0.000000e+00> : vector<256x64xf32>
    %dot_general3A_30 = tpu.matmul %convert_element_type3A_29, %convert_element_type3A, %dot_general3A {dimension_numbers = #tpu.dot_dimension_numbers<[1], [0], [0], [1], [0, 0, 1, 1], [], []>, transpose_lhs_hint = false} : vector<256x10240xbf16>, vector<10240x64xbf16>, vector<256x64xf32> -> vector<256x64xf32>
    %get3A_31 = arith.constant 0 : index
    %get3A_32 = arith.constant 0 : index
    %get3A_33 = vector.load %arg2[%get3A_31, %get3A_32] : memref<256x10240xi8, #tpu.memory_space<vmem>>, vector<256x10240xi8>
    %convert_element_type3A_34 = arith.sitofp %get3A_33 : vector<256x10240xi8> to vector<256x10240xbf16>
    %dot_general3A_35 = arith.constant dense<0.000000e+00> : vector<256x64xf32>
    %dot_general3A_36 = tpu.matmul %convert_element_type3A_34, %convert_element_type3A_25, %dot_general3A_35 {dimension_numbers = #tpu.dot_dimension_numbers<[1], [0], [0], [1], [0, 0, 1, 1], [], []>, transpose_lhs_hint = false} : vector<256x10240xbf16>, vector<10240x64xbf16>, vector<256x64xf32> -> vector<256x64xf32>
    %get3A_37 = arith.constant 0 : index
    %get3A_38 = arith.constant 0 : index
    %get3A_39 = vector.load %arg3[%get3A_37, %get3A_38] : memref<256x256xf8E4M3FN, #tpu.memory_space<vmem>>, vector<256x256xf8E4M3FN>
    %convert_element_type3A_40 = arith.extf %get3A_39 : vector<256x256xf8E4M3FN> to vector<256x256xf32>
    %iota3A = tpu.iota {dimensions = array<i32: 0>} : vector<256x256xi32>
    %iota3A_41 = tpu.iota {dimensions = array<i32: 1>} : vector<256x256xi32>
    %eq3A = arith.cmpi eq, %iota3A, %iota3A_41 : vector<256x256xi32>
    %jit3A_42 = arith.constant 0.000000e+00 : f32
    %broadcast_in_dim3A_43 = vector.broadcast %jit3A_42 : f32 to vector<256x256xf32>
    %select_n3A_44 = arith.select %eq3A, %convert_element_type3A_40, %broadcast_in_dim3A_43 : vector<256x256xi1>, vector<256x256xf32>
    %reduce_sum3A = arith.constant dense<0.000000e+00> : vector<256xf32>
    %reduce_sum3A_45 = vector.multi_reduction <add>, %select_n3A_44, %reduce_sum3A [1] : vector<256x256xf32> to vector<256xf32>
    %broadcast_in_dim3A_46 = vector.shape_cast %reduce_sum3A_45 : vector<256xf32> to vector<256x1xf32>
    %get3A_47 = arith.constant 0 : index
    %get3A_48 = arith.constant 0 : index
    %get3A_49 = vector.load %arg8[%get3A_47, %get3A_48] : memref<256x1xf32, #tpu.memory_space<vmem>>, vector<256x1xf32>
    %gt3A_50 = arith.constant 0.000000e+00 : f32
    %gt3A_51 = vector.broadcast %gt3A_50 : f32 to vector<256x1xf32>
    %gt3A_52 = arith.cmpf ogt, %get3A_49, %gt3A_51 : vector<256x1xf32>
    %max3A_53 = arith.constant 1.000000e-30 : f32
    %max3A_54 = vector.broadcast %max3A_53 : f32 to vector<256x1xf32>
    %max3A_55 = arith.maximumf %get3A_49, %max3A_54 : vector<256x1xf32>
    %rsqrt3A_56 = math.rsqrt %max3A_55 : vector<256x1xf32>
    %jit3A_57 = arith.constant 0.000000e+00 : f32
    %broadcast_in_dim3A_58 = vector.broadcast %jit3A_57 : f32 to vector<256x1xf32>
    %select_n3A_59 = arith.select %gt3A_52, %rsqrt3A_56, %broadcast_in_dim3A_58 : vector<256x1xi1>, vector<256x1xf32>
    %get3A_60 = arith.constant 0 : index
    %get3A_61 = arith.constant 0 : index
    %get3A_62 = vector.load %arg9[%get3A_60, %get3A_61] : memref<256x1xf32, #tpu.memory_space<vmem>>, vector<256x1xf32>
    %gt3A_63 = arith.constant 0.000000e+00 : f32
    %gt3A_64 = vector.broadcast %gt3A_63 : f32 to vector<256x1xf32>
    %gt3A_65 = arith.cmpf ogt, %get3A_62, %gt3A_64 : vector<256x1xf32>
    %max3A_66 = arith.constant 1.000000e-30 : f32
    %max3A_67 = vector.broadcast %max3A_66 : f32 to vector<256x1xf32>
    %max3A_68 = arith.maximumf %get3A_62, %max3A_67 : vector<256x1xf32>
    %rsqrt3A_69 = math.rsqrt %max3A_68 : vector<256x1xf32>
    %jit3A_70 = arith.constant 0.000000e+00 : f32
    %broadcast_in_dim3A_71 = vector.broadcast %jit3A_70 : f32 to vector<256x1xf32>
    %select_n3A_72 = arith.select %gt3A_65, %rsqrt3A_69, %broadcast_in_dim3A_71 : vector<256x1xi1>, vector<256x1xf32>
    %get3A_73 = arith.constant 0 : index
    %get3A_74 = arith.constant 0 : index
    %get3A_75 = vector.load %arg5[%get3A_73, %get3A_74] : memref<256x64xf32, #tpu.memory_space<vmem>>, vector<256x64xf32>
    %mul3A_76 = vector.broadcast %select_n3A_59 : vector<256x1xf32> to vector<256x64xf32>
    %mul3A_77 = arith.mulf %mul3A_76, %get3A_75 : vector<256x64xf32>
    %convert_element_type3A_78 = arith.truncf %mul3A_77 : vector<256x64xf32> to vector<256x64xbf16>
    %convert_element_type3A_79 = arith.extf %convert_element_type3A_78 : vector<256x64xbf16> to vector<256x64xf32>
    %mul3A_80 = vector.broadcast %broadcast_in_dim3A_46 : vector<256x1xf32> to vector<256x64xf32>
    %mul3A_81 = arith.mulf %mul3A_80, %convert_element_type3A_79 : vector<256x64xf32>
    %sub3A = arith.subf %dot_general3A_30, %mul3A_81 : vector<256x64xf32>
    %mul3A_82 = vector.broadcast %select_n3A_59 : vector<256x1xf32> to vector<256x64xf32>
    %mul3A_83 = arith.mulf %sub3A, %mul3A_82 : vector<256x64xf32>
    %mul3A_84 = vector.broadcast %select_n3A_72 : vector<256x1xf32> to vector<256x64xf32>
    %mul3A_85 = arith.mulf %dot_general3A_36, %mul3A_84 : vector<256x64xf32>
    %concatenate3A = tpu.concatenate %mul3A_83, %mul3A_85 in 1 : vector<256x64xf32>, vector<256x64xf32> -> vector<256x128xf32>
    %swap3A = arith.constant 0 : index
    %swap3A_86 = arith.constant 0 : index
    %swap3A_87 = vector.load %arg10[%swap3A, %swap3A_86] : memref<256x128xf32, #tpu.memory_space<vmem>>, vector<256x128xf32>
    tpu.vector_store %arg10[%swap3A, %swap3A_86], %concatenate3A {strides = array<i32>} : memref<256x128xf32, #tpu.memory_space<vmem>>, vector<256x128xf32>,
    return
  }
  func.func @transform_0(%arg0: i32) -> (i32, i32) {
    %c0_i32 = arith.constant 0 : i32
    %c0_i32_0 = arith.constant 0 : i32
    return %arg0, %c0_i32 : i32, i32
  }
  func.func @transform_1(%arg0: i32) -> (i32, i32) {
    %c0_i32 = arith.constant 0 : i32
    %c0_i32_0 = arith.constant 0 : i32
    return %arg0, %c0_i32 : i32, i32
  }
  func.func @transform_2(%arg0: i32) -> (i32, i32) {
    %c0_i32 = arith.constant 0 : i32
    return %arg0, %arg0 : i32, i32
  }
  func.func @transform_3(%arg0: i32) -> (i32, i32) {
    %c0_i32 = arith.constant 0 : i32
    %c0_i32_0 = arith.constant 0 : i32
    %c0_i32_1 = arith.constant 0 : i32
    return %c0_i32, %c0_i32_0 : i32, i32
  }
  func.func @transform_4(%arg0: i32) -> (i32, i32) {
    %c0_i32 = arith.constant 0 : i32
    %c0_i32_0 = arith.constant 0 : i32
    return %arg0, %c0_i32 : i32, i32
  }
  func.func @transform_5(%arg0: i32) -> (i32, i32) {
    %c0_i32 = arith.constant 0 : i32
    %c0_i32_0 = arith.constant 0 : i32
    %c0_i32_1 = arith.constant 0 : i32
    return %c0_i32, %c0_i32_0 : i32, i32
  }
  func.func @transform_6(%arg0: i32) -> (i32, i32) {
    %c0_i32 = arith.constant 0 : i32
    %c0_i32_0 = arith.constant 0 : i32
    %c0_i32_1 = arith.constant 0 : i32
    return %c0_i32, %c0_i32_0 : i32, i32
  }
  func.func @transform_7(%arg0: i32) -> (i32, i32) {
    %c0_i32 = arith.constant 0 : i32
    %c0_i32_0 = arith.constant 0 : i32
    return %arg0, %c0_i32 : i32, i32
  }
  func.func @transform_8(%arg0: i32) -> (i32, i32) {
    %c0_i32 = arith.constant 0 : i32
    %c0_i32_0 = arith.constant 0 : i32
    return %arg0, %c0_i32 : i32, i32
  }
  func.func @transform_9(%arg0: i32) -> (i32, i32) {
    %c0_i32 = arith.constant 0 : i32
    %c0_i32_0 = arith.constant 0 : i32
    return %arg0, %c0_i32 : i32, i32
  }
}

module attributes {stable_mosaic.version = 14 : i64} {
  func.func @body(%arg0: i32, %arg1: memref<256x10240xf8E4M3FN, #tpu.memory_space<vmem>>, %arg2: memref<256x10240xi8, #tpu.memory_space<vmem>>, %arg3: memref<256x256xf8E4M3FN, #tpu.memory_space<vmem>>, %arg4: memref<10240x128xf32, #tpu.memory_space<vmem>>, %arg5: memref<256x128xf32, #tpu.memory_space<vmem>>, %arg6: memref<256x64xf32, #tpu.memory_space<vmem>>, %arg7: memref<10240x1xf32, #tpu.memory_space<vmem>>, %arg8: memref<10240x1xf32, #tpu.memory_space<vmem>>, %arg9: memref<256x1xf32, #tpu.memory_space<vmem>>, %arg10: memref<256x1xf32, #tpu.memory_space<vmem>>, %arg11: memref<448x64xf32, #tpu.memory_space<vmem>>, %arg12: memref<256x64xf32, #tpu.memory_space<vmem>>) attributes {dimension_semantics = [#tpu.dimension_semantics<arbitrary>], iteration_bounds = array<i64: 40>, scalar_prefetch = 0 : i64, scratch_operands = 0 : i64, tpu.core_type = #tpu.core_type<tc>, window_params = [{transform_indices = @transform_0, window_bounds = array<i64: 256, 10240>}, {transform_indices = @transform_1, window_bounds = array<i64: 256, 10240>}, {transform_indices = @transform_2, window_bounds = array<i64: 256, 256>}, {pipeline_mode = #tpu.pipeline_mode<synchronous>, transform_indices = @transform_3, window_bounds = array<i64: 10240, 128>}, {transform_indices = @transform_4, window_bounds = array<i64: 256, 128>}, {transform_indices = @transform_5, window_bounds = array<i64: 256, 64>}, {pipeline_mode = #tpu.pipeline_mode<synchronous>, transform_indices = @transform_6, window_bounds = array<i64: 10240, 1>}, {pipeline_mode = #tpu.pipeline_mode<synchronous>, transform_indices = @transform_7, window_bounds = array<i64: 10240, 1>}, {transform_indices = @transform_8, window_bounds = array<i64: 256, 1>}, {transform_indices = @transform_9, window_bounds = array<i64: 256, 1>}, {pipeline_mode = #tpu.pipeline_mode<synchronous>, transform_indices = @transform_10, window_bounds = array<i64: 448, 64>}, {transform_indices = @transform_11, window_bounds = array<i64: 256, 64>}]} {
    %get3A = arith.constant 0 : index
    %get3A_0 = arith.constant 0 : index
    %get3A_1 = vector.load %arg7[%get3A, %get3A_0] : memref<10240x1xf32, #tpu.memory_space<vmem>>, vector<10240x1xf32>
    %gt3A = arith.constant 0.000000e+00 : f32
    %gt3A_2 = vector.broadcast %gt3A : f32 to vector<10240x1xf32>
    %gt3A_3 = arith.cmpf ogt, %get3A_1, %gt3A_2 : vector<10240x1xf32>
    %max3A = arith.constant 1.000000e-30 : f32
    %max3A_4 = vector.broadcast %max3A : f32 to vector<10240x1xf32>
    %max3A_5 = arith.maximumf %get3A_1, %max3A_4 : vector<10240x1xf32>
    %rsqrt3A = math.rsqrt %max3A_5 : vector<10240x1xf32>
    %jit3A = arith.constant 0.000000e+00 : f32
    %broadcast_in_dim3A = vector.broadcast %jit3A : f32 to vector<10240x1xf32>
    %select_n3A = arith.select %gt3A_3, %rsqrt3A, %broadcast_in_dim3A : vector<10240x1xi1>, vector<10240x1xf32>
    %get3A_6 = arith.constant 0 : index
    %get3A_7 = arith.constant 0 : index
    %get3A_8 = vector.load %arg8[%get3A_6, %get3A_7] : memref<10240x1xf32, #tpu.memory_space<vmem>>, vector<10240x1xf32>
    %gt3A_9 = arith.constant 0.000000e+00 : f32
    %gt3A_10 = vector.broadcast %gt3A_9 : f32 to vector<10240x1xf32>
    %gt3A_11 = arith.cmpf ogt, %get3A_8, %gt3A_10 : vector<10240x1xf32>
    %max3A_12 = arith.constant 1.000000e-30 : f32
    %max3A_13 = vector.broadcast %max3A_12 : f32 to vector<10240x1xf32>
    %max3A_14 = arith.maximumf %get3A_8, %max3A_13 : vector<10240x1xf32>
    %rsqrt3A_15 = math.rsqrt %max3A_14 : vector<10240x1xf32>
    %jit3A_16 = arith.constant 0.000000e+00 : f32
    %broadcast_in_dim3A_17 = vector.broadcast %jit3A_16 : f32 to vector<10240x1xf32>
    %select_n3A_18 = arith.select %gt3A_11, %rsqrt3A_15, %broadcast_in_dim3A_17 : vector<10240x1xi1>, vector<10240x1xf32>
    %get3A_19 = arith.constant 0 : index
    %get3A_20 = arith.constant 0 : index
    %get3A_21 = vector.load %arg4[%get3A_19, %get3A_20] : memref<10240x128xf32, #tpu.memory_space<vmem>>, vector<10240x128xf32>
    %mul3A = vector.broadcast %select_n3A : vector<10240x1xf32> to vector<10240x128xf32>
    %mul3A_22 = arith.mulf %mul3A, %get3A_21 : vector<10240x128xf32>
    %convert_element_type3A = arith.truncf %mul3A_22 : vector<10240x128xf32> to vector<10240x128xbf16>
    %mul3A_23 = vector.broadcast %select_n3A_18 : vector<10240x1xf32> to vector<10240x128xf32>
    %mul3A_24 = arith.mulf %mul3A_23, %get3A_21 : vector<10240x128xf32>
    %convert_element_type3A_25 = arith.truncf %mul3A_24 : vector<10240x128xf32> to vector<10240x128xbf16>
    %get3A_26 = arith.constant 0 : index
    %get3A_27 = arith.constant 0 : index
    %get3A_28 = vector.load %arg1[%get3A_26, %get3A_27] : memref<256x10240xf8E4M3FN, #tpu.memory_space<vmem>>, vector<256x10240xf8E4M3FN>
    %convert_element_type3A_29 = arith.extf %get3A_28 : vector<256x10240xf8E4M3FN> to vector<256x10240xbf16>
    %dot_general3A = arith.constant dense<0.000000e+00> : vector<256x128xf32>
    %dot_general3A_30 = tpu.matmul %convert_element_type3A_29, %convert_element_type3A, %dot_general3A {dimension_numbers = #tpu.dot_dimension_numbers<[1], [0], [0], [1], [0, 0, 1, 1], [], []>, transpose_lhs_hint = false} : vector<256x10240xbf16>, vector<10240x128xbf16>, vector<256x128xf32> -> vector<256x128xf32>
    %get3A_31 = arith.constant 0 : index
    %get3A_32 = arith.constant 0 : index
    %get3A_33 = vector.load %arg2[%get3A_31, %get3A_32] : memref<256x10240xi8, #tpu.memory_space<vmem>>, vector<256x10240xi8>
    %convert_element_type3A_34 = arith.sitofp %get3A_33 : vector<256x10240xi8> to vector<256x10240xbf16>
    %dot_general3A_35 = arith.constant dense<0.000000e+00> : vector<256x128xf32>
    %dot_general3A_36 = tpu.matmul %convert_element_type3A_34, %convert_element_type3A_25, %dot_general3A_35 {dimension_numbers = #tpu.dot_dimension_numbers<[1], [0], [0], [1], [0, 0, 1, 1], [], []>, transpose_lhs_hint = false} : vector<256x10240xbf16>, vector<10240x128xbf16>, vector<256x128xf32> -> vector<256x128xf32>
    %get3A_37 = arith.constant 0 : index
    %get3A_38 = arith.constant 0 : index
    %get3A_39 = vector.load %arg3[%get3A_37, %get3A_38] : memref<256x256xf8E4M3FN, #tpu.memory_space<vmem>>, vector<256x256xf8E4M3FN>
    %convert_element_type3A_40 = arith.extf %get3A_39 : vector<256x256xf8E4M3FN> to vector<256x256xf32>
    %iota3A = tpu.iota {dimensions = array<i32: 0>} : vector<256x256xi32>
    %iota3A_41 = tpu.iota {dimensions = array<i32: 1>} : vector<256x256xi32>
    %eq3A = arith.cmpi eq, %iota3A, %iota3A_41 : vector<256x256xi32>
    %jit3A_42 = arith.constant 0.000000e+00 : f32
    %broadcast_in_dim3A_43 = vector.broadcast %jit3A_42 : f32 to vector<256x256xf32>
    %select_n3A_44 = arith.select %eq3A, %convert_element_type3A_40, %broadcast_in_dim3A_43 : vector<256x256xi1>, vector<256x256xf32>
    %reduce_sum3A = arith.constant dense<0.000000e+00> : vector<256xf32>
    %reduce_sum3A_45 = vector.multi_reduction <add>, %select_n3A_44, %reduce_sum3A [1] : vector<256x256xf32> to vector<256xf32>
    %broadcast_in_dim3A_46 = vector.shape_cast %reduce_sum3A_45 : vector<256xf32> to vector<256x1xf32>
    %get3A_47 = arith.constant 0 : index
    %get3A_48 = arith.constant 0 : index
    %get3A_49 = vector.load %arg9[%get3A_47, %get3A_48] : memref<256x1xf32, #tpu.memory_space<vmem>>, vector<256x1xf32>
    %gt3A_50 = arith.constant 0.000000e+00 : f32
    %gt3A_51 = vector.broadcast %gt3A_50 : f32 to vector<256x1xf32>
    %gt3A_52 = arith.cmpf ogt, %get3A_49, %gt3A_51 : vector<256x1xf32>
    %max3A_53 = arith.constant 1.000000e-30 : f32
    %max3A_54 = vector.broadcast %max3A_53 : f32 to vector<256x1xf32>
    %max3A_55 = arith.maximumf %get3A_49, %max3A_54 : vector<256x1xf32>
    %rsqrt3A_56 = math.rsqrt %max3A_55 : vector<256x1xf32>
    %jit3A_57 = arith.constant 0.000000e+00 : f32
    %broadcast_in_dim3A_58 = vector.broadcast %jit3A_57 : f32 to vector<256x1xf32>
    %select_n3A_59 = arith.select %gt3A_52, %rsqrt3A_56, %broadcast_in_dim3A_58 : vector<256x1xi1>, vector<256x1xf32>
    %get3A_60 = arith.constant 0 : index
    %get3A_61 = arith.constant 0 : index
    %get3A_62 = vector.load %arg10[%get3A_60, %get3A_61] : memref<256x1xf32, #tpu.memory_space<vmem>>, vector<256x1xf32>
    %gt3A_63 = arith.constant 0.000000e+00 : f32
    %gt3A_64 = vector.broadcast %gt3A_63 : f32 to vector<256x1xf32>
    %gt3A_65 = arith.cmpf ogt, %get3A_62, %gt3A_64 : vector<256x1xf32>
    %max3A_66 = arith.constant 1.000000e-30 : f32
    %max3A_67 = vector.broadcast %max3A_66 : f32 to vector<256x1xf32>
    %max3A_68 = arith.maximumf %get3A_62, %max3A_67 : vector<256x1xf32>
    %rsqrt3A_69 = math.rsqrt %max3A_68 : vector<256x1xf32>
    %jit3A_70 = arith.constant 0.000000e+00 : f32
    %broadcast_in_dim3A_71 = vector.broadcast %jit3A_70 : f32 to vector<256x1xf32>
    %select_n3A_72 = arith.select %gt3A_65, %rsqrt3A_69, %broadcast_in_dim3A_71 : vector<256x1xi1>, vector<256x1xf32>
    %get3A_73 = arith.constant 0 : index
    %get3A_74 = arith.constant 0 : index
    %get3A_75 = vector.load %arg5[%get3A_73, %get3A_74] : memref<256x128xf32, #tpu.memory_space<vmem>>, vector<256x128xf32>
    %mul3A_76 = vector.broadcast %select_n3A_59 : vector<256x1xf32> to vector<256x128xf32>
    %mul3A_77 = arith.mulf %mul3A_76, %get3A_75 : vector<256x128xf32>
    %convert_element_type3A_78 = arith.truncf %mul3A_77 : vector<256x128xf32> to vector<256x128xbf16>
    %convert_element_type3A_79 = arith.extf %convert_element_type3A_78 : vector<256x128xbf16> to vector<256x128xf32>
    %mul3A_80 = vector.broadcast %broadcast_in_dim3A_46 : vector<256x1xf32> to vector<256x128xf32>
    %mul3A_81 = arith.mulf %mul3A_80, %convert_element_type3A_79 : vector<256x128xf32>
    %sub3A = arith.subf %dot_general3A_30, %mul3A_81 : vector<256x128xf32>
    %mul3A_82 = vector.broadcast %select_n3A_59 : vector<256x1xf32> to vector<256x128xf32>
    %mul3A_83 = arith.mulf %sub3A, %mul3A_82 : vector<256x128xf32>
    %mul3A_84 = vector.broadcast %select_n3A_72 : vector<256x1xf32> to vector<256x128xf32>
    %mul3A_85 = arith.mulf %dot_general3A_36, %mul3A_84 : vector<256x128xf32>
    %get3A_86 = arith.constant 0 : index
    %get3A_87 = arith.constant 0 : index
    %get3A_88 = vector.load %arg11[%get3A_86, %get3A_87] : memref<448x64xf32, #tpu.memory_space<vmem>>, vector<448x64xf32>
    %get3A_89 = arith.constant 0 : index
    %get3A_90 = arith.constant 0 : index
    %get3A_91 = vector.load %arg6[%get3A_89, %get3A_90] : memref<256x64xf32, #tpu.memory_space<vmem>>, vector<256x64xf32>
    %slice3A = vector.extract_strided_slice %get3A_88 {offsets = [0, 0], sizes = [64, 64], strides = [1, 1]} : vector<448x64xf32> to vector<64x64xf32>
    %dot_general3A_92 = arith.constant dense<0.000000e+00> : vector<256x64xf32>
    %dot_general3A_93 = tpu.matmul %get3A_91, %slice3A, %dot_general3A_92 {dimension_numbers = #tpu.dot_dimension_numbers<[1], [0], [0], [1], [0, 0, 1, 1], [], []>, transpose_lhs_hint = false} : vector<256x64xf32>, vector<64x64xf32>, vector<256x64xf32> -> vector<256x64xf32>
    %get3A_94 = arith.constant 0 : index
    %get3A_95 = arith.constant 0 : index
    %get3A_96 = vector.load %arg5[%get3A_94, %get3A_95] : memref<256x128xf32, #tpu.memory_space<vmem>>, vector<256x128xf32>
    %slice3A_97 = vector.extract_strided_slice %get3A_88 {offsets = [64, 0], sizes = [128, 64], strides = [1, 1]} : vector<448x64xf32> to vector<128x64xf32>
    %dot_general3A_98 = arith.constant dense<0.000000e+00> : vector<256x64xf32>
    %dot_general3A_99 = tpu.matmul %get3A_96, %slice3A_97, %dot_general3A_98 {dimension_numbers = #tpu.dot_dimension_numbers<[1], [0], [0], [1], [0, 0, 1, 1], [], []>, transpose_lhs_hint = false} : vector<256x128xf32>, vector<128x64xf32>, vector<256x64xf32> -> vector<256x64xf32>
    %add3A = arith.addf %dot_general3A_93, %dot_general3A_99 : vector<256x64xf32>
    %slice3A_100 = vector.extract_strided_slice %get3A_88 {offsets = [192, 0], sizes = [128, 64], strides = [1, 1]} : vector<448x64xf32> to vector<128x64xf32>
    %dot_general3A_101 = arith.constant dense<0.000000e+00> : vector<256x64xf32>
    %dot_general3A_102 = tpu.matmul %mul3A_83, %slice3A_100, %dot_general3A_101 {dimension_numbers = #tpu.dot_dimension_numbers<[1], [0], [0], [1], [0, 0, 1, 1], [], []>, transpose_lhs_hint = false} : vector<256x128xf32>, vector<128x64xf32>, vector<256x64xf32> -> vector<256x64xf32>
    %add3A_103 = arith.addf %add3A, %dot_general3A_102 : vector<256x64xf32>
    %slice3A_104 = vector.extract_strided_slice %get3A_88 {offsets = [320, 0], sizes = [128, 64], strides = [1, 1]} : vector<448x64xf32> to vector<128x64xf32>
    %dot_general3A_105 = arith.constant dense<0.000000e+00> : vector<256x64xf32>
    %dot_general3A_106 = tpu.matmul %mul3A_85, %slice3A_104, %dot_general3A_105 {dimension_numbers = #tpu.dot_dimension_numbers<[1], [0], [0], [1], [0, 0, 1, 1], [], []>, transpose_lhs_hint = false} : vector<256x128xf32>, vector<128x64xf32>, vector<256x64xf32> -> vector<256x64xf32>
    %add3A_107 = arith.addf %add3A_103, %dot_general3A_106 : vector<256x64xf32>
    %reduce_max3A = arith.constant dense<0xFF800000> : vector<256xf32>
    %reduce_max3A_108 = vector.multi_reduction <maximumf>, %add3A_107, %reduce_max3A [1] : vector<256x64xf32> to vector<256xf32>
    %broadcast_in_dim3A_109 = vector.shape_cast %reduce_max3A_108 : vector<256xf32> to vector<256x1xf32>
    %sub3A_110 = vector.broadcast %broadcast_in_dim3A_109 : vector<256x1xf32> to vector<256x64xf32>
    %sub3A_111 = arith.subf %add3A_107, %sub3A_110 : vector<256x64xf32>
    %exp3A = math.exp %sub3A_111 : vector<256x64xf32>
    %reduce_sum3A_112 = arith.constant dense<0.000000e+00> : vector<256xf32>
    %reduce_sum3A_113 = vector.multi_reduction <add>, %exp3A, %reduce_sum3A_112 [1] : vector<256x64xf32> to vector<256xf32>
    %broadcast_in_dim3A_114 = vector.shape_cast %reduce_sum3A_113 : vector<256xf32> to vector<256x1xf32>
    %log3A = math.log %broadcast_in_dim3A_114 : vector<256x1xf32>
    %sub3A_115 = vector.broadcast %broadcast_in_dim3A_109 : vector<256x1xf32> to vector<256x64xf32>
    %sub3A_116 = arith.subf %add3A_107, %sub3A_115 : vector<256x64xf32>
    %sub3A_117 = vector.broadcast %log3A : vector<256x1xf32> to vector<256x64xf32>
    %sub3A_118 = arith.subf %sub3A_116, %sub3A_117 : vector<256x64xf32>
    %swap3A = arith.constant 0 : index
    %swap3A_119 = arith.constant 0 : index
    %swap3A_120 = vector.load %arg12[%swap3A, %swap3A_119] : memref<256x64xf32, #tpu.memory_space<vmem>>, vector<256x64xf32>
    tpu.vector_store %arg12[%swap3A, %swap3A_119], %sub3A_118 {strides = array<i32>} : memref<256x64xf32, #tpu.memory_space<vmem>>, vector<256x64xf32>,
    return
  }
  func.func @transform_0(%arg0: i32) -> (i32, i32) {
    %c0_i32 = arith.constant 0 : i32
    %c0_i32_0 = arith.constant 0 : i32
    return %arg0, %c0_i32 : i32, i32
  }
  func.func @transform_1(%arg0: i32) -> (i32, i32) {
    %c0_i32 = arith.constant 0 : i32
    %c0_i32_0 = arith.constant 0 : i32
    return %arg0, %c0_i32 : i32, i32
  }
  func.func @transform_2(%arg0: i32) -> (i32, i32) {
    %c0_i32 = arith.constant 0 : i32
    return %arg0, %arg0 : i32, i32
  }
  func.func @transform_3(%arg0: i32) -> (i32, i32) {
    %c0_i32 = arith.constant 0 : i32
    %c0_i32_0 = arith.constant 0 : i32
    %c0_i32_1 = arith.constant 0 : i32
    return %c0_i32, %c0_i32_0 : i32, i32
  }
  func.func @transform_4(%arg0: i32) -> (i32, i32) {
    %c0_i32 = arith.constant 0 : i32
    %c0_i32_0 = arith.constant 0 : i32
    return %arg0, %c0_i32 : i32, i32
  }
  func.func @transform_5(%arg0: i32) -> (i32, i32) {
    %c0_i32 = arith.constant 0 : i32
    %c0_i32_0 = arith.constant 0 : i32
    return %arg0, %c0_i32 : i32, i32
  }
  func.func @transform_6(%arg0: i32) -> (i32, i32) {
    %c0_i32 = arith.constant 0 : i32
    %c0_i32_0 = arith.constant 0 : i32
    %c0_i32_1 = arith.constant 0 : i32
    return %c0_i32, %c0_i32_0 : i32, i32
  }
  func.func @transform_7(%arg0: i32) -> (i32, i32) {
    %c0_i32 = arith.constant 0 : i32
    %c0_i32_0 = arith.constant 0 : i32
    %c0_i32_1 = arith.constant 0 : i32
    return %c0_i32, %c0_i32_0 : i32, i32
  }
  func.func @transform_8(%arg0: i32) -> (i32, i32) {
    %c0_i32 = arith.constant 0 : i32
    %c0_i32_0 = arith.constant 0 : i32
    return %arg0, %c0_i32 : i32, i32
  }
  func.func @transform_9(%arg0: i32) -> (i32, i32) {
    %c0_i32 = arith.constant 0 : i32
    %c0_i32_0 = arith.constant 0 : i32
    return %arg0, %c0_i32 : i32, i32
  }
  func.func @transform_10(%arg0: i32) -> (i32, i32) {
    %c0_i32 = arith.constant 0 : i32
    %c0_i32_0 = arith.constant 0 : i32
    %c0_i32_1 = arith.constant 0 : i32
    return %c0_i32, %c0_i32_0 : i32, i32
  }
  func.func @transform_11(%arg0: i32) -> (i32, i32) {
    %c0_i32 = arith.constant 0 : i32
    %c0_i32_0 = arith.constant 0 : i32
    return %arg0, %c0_i32 : i32, i32
  }
}

</mosaic_0001>

<sc_bundles>
// kernel: kernel.8.cloned.1.call-start
scs
__scs_entry_jumppad:
0x0: {  	(pc) =	sbr.rel $0x88, $3  }
0x1: {  	(tag) =	ssettag $0x0;
	lr =	simm.s32 $0x1  }
0x2: {  	[smem:$0x3F9D] =	sst lr;
	_ =	strace $0xD0000000  }
0x3: {  	_ = 	snop  }
0x4: {  	_ = 	snop  }
0x5: {  	_ = 	snop  }
0x6: {  	_ = 	snop  }
0x7: {  	_ = 	snop  }
__scs_overlays_trampoline_lowered:
0x8: {  	[smem:$0x3FAC] =	sst s0  }
0x9: {  	[smem:$0x3FAD] =	sst s1  }
0xa: {  	[smem:$0x3FAE] =	sst s2  }
0xb: {  	[smem:$0x3FAF] =	sst s3  }
0xc: {  	[smem:$0x3FB0] =	sst s4  }
0xd: {  	[smem:$0x3FB1] =	sst s5  }
0xe: {  	[smem:$0x3FB2] =	sst s6  }
0xf: {  	[smem:$0x3FB3] =	sst s7  }
0x10: {  	[smem:$0x3FB4] =	sst s8  }
0x11: {  	[smem:$0x3FB5] =	sst s9;
	s0 =	simm.s32 @!p0 $0x0  }
0x12: {  	s1 =	sld [smem:$0x3F9B];
	s0 =	simm.s32 @p0 $0x1  }
0x13: {  	[smem:$0x3FB6] =	sst s0;
	s0 =	simm.s32 @!p1 $0x0  }
0x14: {  	s2 =	sld [smem:$0x3F9A];
	s0 =	simm.s32 @p1 $0x1  }
0x15: {  	[smem:$0x3FB7] =	sst s0;
	s0 =	simm.s32 @!p2 $0x0  }
0x16: {  	s3 =	sld [smem:$0x3FDB];
	s0 =	simm.s32 @p2 $0x1  }
0x17: {  	s4 =	simm.s32 $0x1BF5;
	[smem:$0x3FB9] =	sst s0  }
0x18: {  	s0 =	sld [smem:$0x3F9C];
	_ =	swait.ge [sflag:s4], $0x0  }
0x19: {  	s7 =	sld [smem:$0x3F9D]  }
0x1a: {  	s8 =	sadd.s32 $0xFFFFE003, lr  }
0x1b: {  	s9 =	sadd.s32 $0xFFFFFEF7, lr;
	s5 =	simm.s32 $0xFFFFFFFF;
	p2 =	slt.u32 s8, $0xFFFFF086  }
0x1c: {  	p1 =	slt.u32 s9, $0xF7A;
	s5 =	simm.s32 @!p2 $0x0  }
0x1d: {  	s5 =	simm.s32 @p1 $0x1;
	p0 =	seq.s32 s7, s2  }
0x1e: {  	s7 =	smul.u32 @!p0 $0xF7A, s2;
	p2 =	seq.s32 @!p0 s5, $0x0  }
0x1f: {  	s9 =	smul.u32 $0xF7A, s1;
	s8 =	simm.s32 @!p0 $0x1BF5;
	p2 =	por !p2, p0  }
0x20: {  	[sflag:s8] =	ssyncset.s32 @!p0 $0xFFFFF086;
	s6 =	sadd.s32 @!p0 s3, s7;
	s7 =	simm.s32 @!p0 $0x108  }
0x21: {  	s3 =	sadd.s32 s3, s9;
	s6 =	sadd.s32 @!p0 $0x88, s6;
	s7 =	simm.s32 @p2 $0x1082  }
0x22: {  	[simem:s7], [sflag:s8] =	dma.local @!p0 [hbm:s6], $0xF7A  }
0x23: {  	s9 =	sor.u32 $0xD0000000, s2;
	s6 =	simm.s32 $0x108;
	_ =	swait.ge @!p0 [sflag:s8], $0x0  }
0x24: {  	s3 =	sadd.s32 $0x88, s3;
	s6 =	simm.s32 @!p1 $0x1082;
	[sflag:s4] =	ssyncset.s32 $0xFFFFF086  }
0x25: {  	[simem:s6], [sflag:s4] =	dma.local [hbm:s3], $0xF7A  }
0x26: {  	[smem:$0x3F9D] =	sst s1;
	(tag) =	ssettag s2;
	_ =	strace s9  }
0x27: {  	s1 =	sld [smem:$0x3FAD]  }
0x28: {  	s2 =	sld [smem:$0x3FAE]  }
0x29: {  	s4 =	sld [smem:$0x3FB0]  }
0x2a: {  	p0 =	seq.s32 s5, $0x0;
	s5 =	sld [smem:$0x3FB1]  }
0x2b: {  	s6 =	sld [smem:$0x3FB2]  }
0x2c: {  	s7 =	sld [smem:$0x3FB3]  }
0x2d: {  	s3 =	simm.s32 $0x108;
	s8 =	sld [smem:$0x3FB4]  }
0x2e: {  	s3 =	simm.s32 @!p0 $0x1082;
	s9 =	sld [smem:$0x3FB5]  }
0x2f: {  	lr =	sadd.s32 s0, s3;
	s0 =	sld [smem:$0x3FAC]  }
0x30: {  	s3 =	sld [smem:$0x3FAF]  }
0x31: {  	[smem:$0x3FB8] =	sst s10  }
0x32: {  	s10 =	sld [smem:$0x3FB6];
	_ =	sdelay $0x3  }
0x33: {  	p0 =	seq.s32 s10, $0x1;
	s10 =	sld [smem:$0x3FB8];
	_ =	sdelay $0x3  }
0x34: {  	[smem:$0x3FB8] =	sst s10  }
0x35: {  	s10 =	sld [smem:$0x3FB7];
	_ =	sdelay $0x3  }
0x36: {  	p1 =	seq.s32 s10, $0x1;
	s10 =	sld [smem:$0x3FB8];
	_ =	sdelay $0x3  }
0x37: {  	[smem:$0x3FB8] =	sst s10  }
0x38: {  	s10 =	sld [smem:$0x3FB9]  }
0x39: {  	_ = 	snop;
	(pc) =	sbr.ind lr, $3  }
0x3a: {  	_ = 	snop  }
0x3b: {  	_ = 	snop  }
0x3c: {  	p2 =	seq.s32 s10, $0x1;
	s10 =	sld [smem:$0x3FB8]  }
0x3d: {  	_ =	shalt  }
0x3e: {  	_ =	shalt  }
0x3f: {  	_ =	shalt  }
0x40: {  	_ =	shalt  }
0x41: {  	_ =	shalt  }
0x42: {  	_ =	shalt  }
0x43: {  	_ =	shalt  }
0x44: {  	_ =	shalt  }
0x45: {  	_ =	shalt  }
0x46: {  	_ =	shalt  }
0x47: {  	_ =	shalt  }
0x48: {  	_ =	shalt  }
0x49: {  	_ =	shalt  }
0x4a: {  	_ =	shalt  }
0x4b: {  	_ =	shalt  }
0x4c: {  	_ =	shalt  }
0x4d: {  	_ =	shalt  }
0x4e: {  	_ =	shalt  }
0x4f: {  	_ =	shalt  }
0x50: {  	_ =	shalt  }
0x51: {  	_ =	shalt  }
0x52: {  	_ =	shalt  }
0x53: {  	_ =	shalt  }
0x54: {  	_ =	shalt  }
0x55: {  	_ =	shalt  }
0x56: {  	_ =	shalt  }
0x57: {  	_ =	shalt  }
0x58: {  	_ =	shalt  }
0x59: {  	_ =	shalt  }
0x5a: {  	_ =	shalt  }
0x5b: {  	_ =	shalt  }
0x5c: {  	_ =	shalt  }
0x5d: {  	_ =	shalt  }
0x5e: {  	_ =	shalt  }
0x5f: {  	_ =	shalt  }
0x60: {  	_ =	shalt  }
0x61: {  	_ =	shalt  }
0x62: {  	_ =	shalt  }
0x63: {  	_ =	shalt  }
0x64: {  	_ =	shalt  }
0x65: {  	_ =	shalt  }
0x66: {  	_ =	shalt  }
0x67: {  	_ =	shalt  }
0x68: {  	_ =	shalt  }
0x69: {  	_ =	shalt  }
0x6a: {  	_ =	shalt  }
0x6b: {  	_ =	shalt  }
0x6c: {  	_ =	shalt  }
0x6d: {  	_ =	shalt  }
0x6e: {  	_ =	shalt  }
0x6f: {  	_ =	shalt  }
0x70: {  	_ =	shalt  }
0x71: {  	_ =	shalt  }
0x72: {  	_ =	shalt  }
0x73: {  	_ =	shalt  }
0x74: {  	_ =	shalt  }
0x75: {  	_ =	shalt  }
0x76: {  	_ =	shalt  }
0x77: {  	_ =	shalt  }
0x78: {  	_ =	shalt  }
0x79: {  	_ =	shalt  }
0x7a: {  	_ =	shalt  }
0x7b: {  	_ =	shalt  }
0x7c: {  	_ =	shalt  }
0x7d: {  	_ =	shalt  }
0x7e: {  	_ =	shalt  }
0x7f: {  	_ =	shalt  }
0x80: {  	_ =	shalt  }
0x81: {  	_ =	shalt  }
0x82: {  	_ =	shalt  }
0x83: {  	_ =	shalt  }
0x84: {  	_ =	shalt  }
0x85: {  	_ =	shalt  }
0x86: {  	_ =	shalt  }
0x87: {  	_ =	shalt  }
.Lfunc_end0:
.L_simem_size_0:
called_computation_lowered:
.L_overlay_start_0:
0x88: {  	s2 =	sld [smem:$0x3FD9]  }
0x89: {  	s3 =	sld [smem:$0x3FFE];
	_ =	sdelay $0x1  }
0x8a: {  	s1 =	srdreg.scid  }
0x8b: {  	s0 =	sand.u32 $0x1, s1  }
0x8c: {  	s17 =	sshll.u32 s0, $0xA;
	s2 =	sadd.s32 s3, s2  }
0x8d: {  	s2 =	sadd.s32 s2, s17  }
0x8e: {  	[smem:$0x3FC4] =	sst s2  }
0x8f: {  	_ = 	snop  }
0x90: {  	s2 =	sld [smem:$0x3FD0];
	(tm) =	ssettm $0x1  }
0x91: {  	s18 =	sld [smem:$0x3FFB];
	_ =	sdelay $0x3  }
0x92: {  	_ =	strace s18  }
0x93: {  	s3 =	sld [smem:$0x3FFC];
	_ =	sdelay $0x3  }
0x94: {  	_ =	strace s3  }
0x95: {  	s3 =	sld [smem:$0x3FFD];
	_ =	sdelay $0x3  }
0x96: {  	_ =	strace s3  }
0x97: {  	_ =	strace $0x8FFFFFFF  }
0x98: {  	s19 =	sld [smem:$0x3FDB];
	_ =	sdelay $0x1  }
0x99: {  	s4 =	simm.s32 $_scs_section_size  }
0x9a: {  	s5 =	simm.s32 $_size__tile_overlayer_lowered;
	s6 =	simm.s32 $_tile_overlayer_lowered  }
0x9b: {  	s22 =	simm.s32 $0x1BFF;
	s21 =	sshll.u32 s6, $0x1;
	s3 =	sadd.s32 s4, s19  }
0x9c: {  	s7 =	simm.s32 $0x0;
	s20 =	sshll.u32 s5, $0x1;
	s5 =	sadd.s32 s21, s3  }
0x9d: {  	[timem:s7], [sflag:s22] =	dma.local [hbm:s5], s20  }
0x9e: {  	_ =	swait.ge [sflag:s22], s20  }
0x9f: {  	s4 =	ssub.s32 $0x0, s20;
	[sflag:s22] =	ssyncset.done $0x0  }
0xa0: {  	[sflag:s22] =	ssyncadd.s32 s4;
	_ =	sdelay $0x1  }
0xa1: {  	s23 =	simm.s32 $0x1B8B  }
0xa2: {  	_ =	swait.ge [sflag:s23], $0x1  }
0xa3: {  	[sflag:s23] =	ssyncset.done $0x0  }
0xa4: {  	s25 =	simm.s32 $0x1B8E;
	s24 =	sld [smem:$0x3FFE];
	[sflag:s23] =	ssyncadd.s32 $0xFFFFFFFF  }
0xa5: {  	s26 =	simm.s32 $execute0_lowered;
	[smem:$0x3FD2] =	sst s25  }
0xa6: {  	s5 =	sshll.u32 s26, $0x1;
	_ =	strace $0x80000046;
	[dreg:$0x1] =	wrdreg $0xFFFFFFFF  }
0xa7: {  	s28 =	simm.s32 $_size_execute0_lowered;
	s3 =	sadd.s32 s3, s5;
	[dreg:$0x0] =	wrdreg $0x0  }
0xa8: {  	s5 =	sshll.u32 s28, $0x1;
	[dreg:$0x2] =	wrdreg s3  }
0xa9: {  	[dreg:$0x3] =	wrdreg s5  }
0xaa: {  	[dreg:$0x4] =	wrdreg $0xC0  }
0xab: {  	_ =	task [dreg:s7], $0x5FFFF  }
0xac: {  	[dreg:$0x1] =	wrdreg $0xFFFFFFFF  }
0xad: {  	[dreg:$0x0] =	wrdreg $0x60  }
0xae: {  	[dreg:$0x2] =	wrdreg s24  }
0xaf: {  	[dreg:$0x3] =	wrdreg s2  }
0xb0: {  	[dreg:$0x4] =	wrdreg $0x9  }
0xb1: {  	_ =	task.clear_ibuf [dreg:s7], $0x5FFFF;
	_ =	strace $0x90000046  }
0xb2: {  	s29 =	simm.s32 $0x9;
	_ =	strace $0x80000048  }
0xb3: {  	_ =	swait.ge [sflag:s29], $0x1  }
0xb4: {  	[sflag:s29] =	ssyncadd.s32 $0xFFFFFFFF  }
0xb5: {  	_ =	strace $0x90000048  }
0xb6: {  	_ =	sfence  }
0xb7: {  	s30 =	sld [smem:$0x0];
	_ =	sdelay $0x2  }
0xb8: {  	s31 =	sshll.u32 s1, $0xD;
	s1 =	sshrl.u32 s1, $0x2  }
0xb9: {  	s3 =	sand.u32 $0x4000, s31;
	s1 =	sadd.s32 s1, s30  }
0xba: {  	s0 =	sor.u32 s3, s0;
	s1 =	sshll.u32 s1, $0x11  }
0xbb: {  	s0 =	sor.u32 s1, s0  }
0xbc: {  	s0 =	sadd.s32 $0x8F2B, s0  }
0xbd: {  	[sflag:s0] =	ssyncadd.remote.s32 $0x1  }
0xbe: {  	_ =	sfence.sel $0xFFFF  }
0xbf: {  	[dreg:$0x0] =	wrdreg $0xFFFFFFFF;
	(pc) =	sbr.abs _section_cstart, $3  }
0xc0: {  	[dreg:$0x1] =	wrdreg $0xFFFFFFFF  }
0xc1: {  	_ =	task.clear_ibuf [dreg:s7], $0x2FFFF;
	_ =	strace $0x9FFFFFFF  }
0xc2: {  	(tm) =	ssettm $0x7FFFFFFF  }
0xc3: {  	_ =	shalt  }
tec
execute0_lowered:
.L_overlay_start_1:
0x0: {  	(tag) =	ssettag $0x1  }
0x1: {  	s4 =	rddreg [dreg:$0x0];
	s1 =	srdreg.scid  }
0x2: {  	s0 =	stileid.u32;
	s6 =	rddreg [dreg:$0x1]  }
0x3: {  	s2 =	simm.s32 $0x0;
	s10 =	simm.s32 $0x9D80;
	s11 =	simm.s32 $0x4E80  }
0x4: {  	s12 =	simm.s32 $0x4F00;
	s3 =	sand.u32 $0x1, s1;
	s5 =	sshll.u32 s0, $0x1  }
0x5: {  	s13 =	simm.s32 $0x1;
	s14 =	simm.s32 $0x0;
	s5 =	sor.u32 s3, s5  }
0x6: {  	[smem:$0x7FF] =	sst s2;
	s31 =	ssub.s32 $0x2, s3;
	s7 =	smul.u32 $0x4E2, s5  }
0x7: {  	s1 =	rddreg [dreg:$0x2];
	_ =	strace $0x80000047;
	s9 =	sshrl.u32 s31, $0x1  }
0x8: {  	s3 =	sadd.s32 $0xC8AC00, s4;
	s9 =	ssub.s32 s31, s9;
	s8 =	sadd.s32 s7, s4  }
0x9: {  	s4 =	sadd.s32 $0xAC00, s4;
	s6 =	sadd.s32 s6, s7;
	s7 =	smax.u32 s9, $0x1  }
0xa: {  	s9 =	simm.s32 $0x2780;
	s5 =	sadd.s32 $0xE00, s8;
	s8 =	simm.s32 $0x2  }
.LBB2_1:
0xb: {  	[tilespmem:s2], [sflag:$0x2] =	stream.linear.gather [hbm4b:s5+s2], $0x2710, $0x38;
	[tilespmem:$0xEC00] =	vst v63  }
0xc: {  	_ =	swait.ge [sflag:s8], $0x2710  }
0xd: {  	[sflag:s8] =	ssyncset.done $0x0  }
0xe: {  	[sflag:s8] =	ssyncadd.s32 $0xFFFFD8F0  }
0xf: {  	[tilespmem:s9], [sflag:$0x2] =	stream.linear.gather [hbm4b:s6+s2], $0x2710, $0x38;
	[tilespmem:$0xEC00] =	vst v63  }
0x10: {  	_ =	swait.ge [sflag:s8], $0x2710  }
0x11: {  	[sflag:s8] =	ssyncset.done $0x0  }
0x12: {  	[sflag:s8] =	ssyncadd.s32 $0xFFFFD8F0  }
0x13: {  	[tilespmem:s10], [sflag:$0x2] =	stream.linear.gather [hbm4b:s3+s2], $0x4E80, $0x38;
	[tilespmem:$0xEC00] =	vst v63  }
0x14: {  	_ =	swait.ge [sflag:s8], $0x4E80  }
0x15: {  	[sflag:s8] =	ssyncset.done $0x0  }
0x16: {  	s15 =	simm.s32 $0x0;
	[sflag:s8] =	ssyncadd.s32 $0xFFFFB180  }
0x17: {  	v0 =	vld [tilespmem:s15+$0x0];
	_ =	sdelay $0x1  }
0x18: {  	v2 =	vld [tilespmem:s15+$0x2780];
	_ =	sdelay $0x2  }
0x19: {  	v3 =	vmul.u32 $0x2800, v0;
	_ =	sdelay $0x1  }
0x1a: {  	s16 =	simm.s32 $0x40;
	s17 =	simm.s32 $0x4F10;
	s15 =	simm.s32 $0x4F10;
	v1 =	vmul.u32 $0x2800, v2;
	v2 =	vadd.s32 v2, v3  }
.LBB2_2:
0x1b: {  	p0 =	sne.s32 s16, $0x9C00  }
0x1c: {  	[tilespmem:s15+$0xFFFFFFF0] =	vst v2;
	v0 =	vadd.s32 v0, v1;
	s17 =	sadd.s32 $0x20, s17;
	s18 =	smov.u32 s16;
	s16 =	sadd.s32 $0x40, s16  }
0x1d: {  	s18 =	sshra.s32 s18, $0x2;
	[tilespmem:s15+$0x0] =	vst v0;
	s15 =	smov.u32 s17  }
0x1e: {  	v0 =	vld [tilespmem:s18+$0x0]  }
0x1f: {  	v2 =	vld [tilespmem:s18+$0x2780];
	_ =	sdelay $0x1  }
.Ltmp0:
0x20: {  	(pc) =	sbr.rel @p0 .LBB2_2-.Ltmp0, $4  }
0x21: {  	_ = 	snop  }
0x22: {  	v3 =	vmul.u32 $0x2800, v0  }
0x23: {  	v1 =	vmul.u32 $0x2800, v2  }
0x24: {  	v2 =	vadd.s32 v2, v3  }
0x25: {  	[tilespmem:s15+$0xFFFFFFF0] =	vst v2;
	v0 =	vadd.s32 v0, v1  }
0x26: {  	[tilespmem:s15+$0x0] =	vst v0  }
0x27: {  	v0 =	vld [tilespmem:$0x4F00];
	_ =	sdelay $0x4  }
0x28: {  	[tilespmem:$0x9D20] =	vst v0  }
0x29: {  	[tilespmem:$0x9D30] =	vst v0  }
0x2a: {  	[tilespmem:$0x9D40] =	vst v0  }
0x2b: {  	s14 =	sadd.s32 $0x1, s14;
	[tilespmem:$0x9D50] =	vst v0  }
0x2c: {  	p0 =	sne.s32 s14, s7;
	[tilespmem:$0x9D60] =	vst v0  }
.Ltmp1:
0x2d: {  	[tilespmem:$0x9D70] =	vst v0;
	(pc) =	sbr.rel @p0 .LBB2_1-.Ltmp1, $4  }
0x2e: {  	[hbm4b:s4+s11] =	stream.indirect.scatter [tilespmem:s10], [sflag:$0x1], $0x1, s12, s11, $0xb8;
	[tilespmem:$0xEC00] =	vst v63  }
0x2f: {  	_ =	swait.ge [sflag:s13], $0x4E80  }
0x30: {  	[sflag:s13] =	ssyncset.done $0x0  }
0x31: {  	[sflag:s13] =	ssyncadd.s32 $0xFFFFB180  }
0x32: {  	_ =	sfence.sel $0x180000  }
0x33: {  	[bflag:$0x0] =	sbarrier.arrive $0xFFFF  }
0x34: {  	p0 =	sne.s32 s0, $0x0;
	_ =	strace $0x90000047  }
0x35: {  	s0 =	sadd.s32 @!p0 $0x100000, s1;
	[bflag:$0x2] =	sbarrier.arrive $0xFFFF  }
0x36: {  	[sflag:s0] =	ssyncadd.tile.s32 @!p0 $0x1;
	_ =	shalt  }
.Lfunc_end2:
_tile_overlayer_lowered:
.L_overlay_start_2:
0x37: {  	(tag) =	ssettag $0x2  }
0x38: {  	s0 =	rddreg [dreg:$0x0];
	s2 =	stileid.u32  }
0x39: {  	s1 =	rddreg [dreg:$0x1];
	p0 =	sne.s32 s2, $0x0  }
0x3a: {  	s3 =	rddreg [dreg:$0x2];
	[bflag:$0x3] =	sbarrier.arrive $0xFFFF;
	s2 =	simm.s32 @!p0 $0x1C02  }
0x3b: {  	[timem:s3], [sflag:s2] =	dma.local @!p0 [hbm:s0], s1  }
0x3c: {  	s0 =	simm.s32 @!p0 $0x2  }
0x3d: {  	_ =	swait.ge @!p0 [sflag:s0], s1  }
0x3e: {  	s1 =	ssub.s32 @!p0 $0x0, s1;
	[sflag:s0] =	ssyncset.done @!p0 $0x0  }
0x3f: {  	[sflag:s0] =	ssyncadd.s32 @!p0 s1  }
0x40: {  	[bflag:$0x3] =	sbarrier.arrive $0xFFFF  }
0x41: {  	_ =	shalt  }

</sc_bundles>
